<compile_context>
chip_gen: v7x
topology: tpu7x:2x2x1
jax: 0.10.2.dev20260603
libtpu: 0.0.44.dev20260713+nightly
codegen_flags: <defaults>
</compile_context>

<pallas_src>
import functools

import jax
import jax.numpy as jnp
from jax import lax
from jax.experimental import pallas as pl
from jax.experimental.pallas import tpu as pltpu
from jax.experimental.pallas import tpu_sc as plsc

N = 10000
E = 320000
F = 128
NG = 100
NGP = 128
NP = 10240
NTILES = 32
EPT = NP
EP = NTILES * EPT
CH = 128
NCH = EPT // CH
RPS = NP // 16
RB = 1024
EB = 1024

def _sc_counts_body(src_hbm, dst_hbm, out_hbm, ebs, ebd, cs, cd):
    c = lax.axis_index("c")
    s = lax.axis_index("s")
    w = c * 16 + s

    def zfill(j, _):
        cs[pl.ds(j * 16, 16)] = jnp.zeros((16,), jnp.float32)
        cd[pl.ds(j * 16, 16)] = jnp.zeros((16,), jnp.float32)
        return 0

    lax.fori_loop(0, NP // 16, zfill, 0)

    ones = jnp.ones((16,), jnp.float32)
    ebase = w * EPT

    def chunk(g, _):
        pltpu.sync_copy(src_hbm.at[pl.ds(ebase + g * EB, EB)], ebs)
        pltpu.sync_copy(dst_hbm.at[pl.ds(ebase + g * EB, EB)], ebd)

        def inner(j, _):
            plsc.addupdate_scatter(cs, [ebs[pl.ds(j * 16, 16)]], ones)
            plsc.addupdate_scatter(cd, [ebd[pl.ds(j * 16, 16)]], ones)
            return 0

        lax.fori_loop(0, EB // 16, inner, 0)
        return 0

    lax.fori_loop(0, EPT // EB, chunk, 0)

    pltpu.sync_copy(cs, out_hbm.at[pl.ds(w * 2 * NP, NP)])
    pltpu.sync_copy(cd, out_hbm.at[pl.ds(w * 2 * NP + NP, NP)])


def _sc_edge_pass_body(src_hbm, dst_hbm, table_hbm, out_hbm, idx_s, idx_d,
                       rows, gsem, acc):
    c = lax.axis_index("c")
    s = lax.axis_index("s")
    ebase = (c * 16 + s) * EPT

    def zrow(j, _):
        def zlane(l, _):
            rows[j, pl.ds(l * 16, 16)] = jnp.zeros((16,), jnp.float32)
            return 0

        lax.fori_loop(0, F // 16, zlane, 0)
        return 0

    lax.fori_loop(0, CH, zrow, 0)

    def zcopy(k, _):
        pltpu.sync_copy(rows, acc.at[pl.ds(s * RPS + k * CH, CH)])
        return 0

    lax.fori_loop(0, RPS // CH, zcopy, 0)
    plsc.subcore_barrier()

    def chunk(g, _):
        off = ebase + g * CH
        pltpu.sync_copy(src_hbm.at[pl.ds(off, CH)], idx_s)
        pltpu.sync_copy(dst_hbm.at[pl.ds(off, CH)], idx_d)
        pltpu.async_copy(table_hbm.at[idx_s], rows, gsem).wait()
        pltpu.sync_copy(rows, acc.at[idx_d], add=True)
        return 0

    lax.fori_loop(0, NCH, chunk, 0)
    plsc.subcore_barrier()

    pltpu.sync_copy(acc.at[pl.ds(s * RPS, RPS)],
                    out_hbm.at[c, pl.ds(s * RPS, RPS)])


@functools.lru_cache(maxsize=None)
def _sc_kernels():
    mesh = plsc.VectorSubcoreMesh(core_axis_name="c", subcore_axis_name="s")
    counts = pl.kernel(
        _sc_counts_body,
        out_type=jax.ShapeDtypeStruct((NTILES * 2 * NP,), jnp.float32),
        mesh=mesh,
        scratch_types=[
            pltpu.VMEM((EB,), jnp.int32),
            pltpu.VMEM((EB,), jnp.int32),
            pltpu.VMEM((NP,), jnp.float32),
            pltpu.VMEM((NP,), jnp.float32),
        ],
        compiler_params=pltpu.CompilerParams(needs_layout_passes=False),
    )
    edge_pass = pl.kernel(
        _sc_edge_pass_body,
        out_type=jax.ShapeDtypeStruct((2, NP, F), jnp.float32),
        mesh=mesh,
        scratch_types=[
            pltpu.VMEM((CH,), jnp.int32),
            pltpu.VMEM((CH,), jnp.int32),
            pltpu.VMEM((CH, F), jnp.float32),
            pltpu.SemaphoreType.DMA,
            pltpu.VMEM_SHARED((NP, F), jnp.float32),
        ],
    )
    return counts, edge_pass


def _tc_prep_body(cnt_ref, x_ref, y_ref, nrm_ref):
    cnt = cnt_ref[...]
    cs = jnp.sum(cnt[:, :NTILES], axis=1, keepdims=True)
    cd = jnp.sum(cnt[:, NTILES:], axis=1, keepdims=True)
    ns = lax.rsqrt(jnp.maximum(cs, 1.0))
    nd = lax.rsqrt(jnp.maximum(cd, 1.0))
    y_ref[...] = x_ref[...] * ns
    nrm_ref[...] = jnp.concatenate([ns, nd], axis=1)


def _tc_mid_body(pp_ref, nrm_ref, w1_ref, b1_ref, h1_ref, ys_ref, ps_ref):
    P = pp_ref[0] + pp_ref[1]
    Z = jnp.dot(P, w1_ref[...], preferred_element_type=jnp.float32)
    ns = nrm_ref[:, 0:1]
    nd = nrm_ref[:, 1:2]
    H1 = jnp.maximum(Z * nd + b1_ref[...], 0.0)
    h1_ref[...] = H1
    ys_ref[...] = H1 * ns
    ps_ref[...] = P


def _tc_out_body(qp_ref, ps_ref, h1_ref, nrm_ref, g_ref, w2a_ref, w2b_ref,
                 b2_ref, hg_ref, sums, cnts):
    i = pl.program_id(0)
    Q = qp_ref[0] + qp_ref[1]
    Z = (jnp.dot(Q, w2a_ref[...], preferred_element_type=jnp.float32)
         + jnp.dot(ps_ref[...], w2b_ref[...], preferred_element_type=jnp.float32))
    nd = nrm_ref[:, 1:2]
    H2 = jnp.maximum(Z * nd + b2_ref[...], 0.0)
    feat = jnp.concatenate([h1_ref[...], H2], axis=1)
    gio = lax.broadcasted_iota(jnp.int32, (RB, NGP), 1)
    onehot = (g_ref[...] == gio).astype(jnp.float32)
    contrib = lax.dot_general(onehot, feat, (((0,), (0,)), ((), ())),
                              preferred_element_type=jnp.float32)
    ccnt = lax.dot_general(onehot, jnp.ones((RB, 1), jnp.float32),
                           (((0,), (0,)), ((), ())),
                           preferred_element_type=jnp.float32)

    @pl.when(i == 0)
    def _():
        sums[...] = jnp.zeros_like(sums)
        cnts[...] = jnp.zeros_like(cnts)

    sums[...] += contrib
    cnts[...] += ccnt

    @pl.when(i == pl.num_programs(0) - 1)
    def _():
        hg_ref[...] = sums[...] / jnp.maximum(cnts[...], 1.0)


_tc_prep = pl.pallas_call(
    _tc_prep_body,
    grid=(NP // RB,),
    in_specs=[
        pl.BlockSpec((RB, 2 * NTILES), lambda i: (i, 0)),
        pl.BlockSpec((RB, F), lambda i: (i, 0)),
    ],
    out_specs=[
        pl.BlockSpec((RB, F), lambda i: (i, 0)),
        pl.BlockSpec((RB, 2), lambda i: (i, 0)),
    ],
    out_shape=[
        jax.ShapeDtypeStruct((NP, F), jnp.float32),
        jax.ShapeDtypeStruct((NP, 2), jnp.float32),
    ],
)

_tc_mid = pl.pallas_call(
    _tc_mid_body,
    grid=(NP // RB,),
    in_specs=[
        pl.BlockSpec((2, RB, F), lambda i: (0, i, 0)),
        pl.BlockSpec((RB, 2), lambda i: (i, 0)),
        pl.BlockSpec((F, F), lambda i: (0, 0)),
        pl.BlockSpec((1, F), lambda i: (0, 0)),
    ],
    out_specs=[
        pl.BlockSpec((RB, F), lambda i: (i, 0)),
        pl.BlockSpec((RB, F), lambda i: (i, 0)),
        pl.BlockSpec((RB, F), lambda i: (i, 0)),
    ],
    out_shape=[
        jax.ShapeDtypeStruct((NP, F), jnp.float32),
        jax.ShapeDtypeStruct((NP, F), jnp.float32),
        jax.ShapeDtypeStruct((NP, F), jnp.float32),
    ],
)

_tc_out = pl.pallas_call(
    _tc_out_body,
    grid=(NP // RB,),
    in_specs=[
        pl.BlockSpec((2, RB, F), lambda i: (0, i, 0)),
        pl.BlockSpec((RB, F), lambda i: (i, 0)),
        pl.BlockSpec((RB, F), lambda i: (i, 0)),
        pl.BlockSpec((RB, 2), lambda i: (i, 0)),
        pl.BlockSpec((RB, 1), lambda i: (i, 0)),
        pl.BlockSpec((F, F), lambda i: (0, 0)),
        pl.BlockSpec((F, F), lambda i: (0, 0)),
        pl.BlockSpec((1, F), lambda i: (0, 0)),
    ],
    out_specs=pl.BlockSpec((NGP, 2 * F), lambda i: (0, 0)),
    out_shape=jax.ShapeDtypeStruct((NGP, 2 * F), jnp.float32),
    scratch_shapes=[
        pltpu.VMEM((NGP, 2 * F), jnp.float32),
        pltpu.VMEM((NGP, 1), jnp.float32),
    ],
)


def kernel(x, edge_index, graph_ids, W1, b1, W2, b2):
    src = edge_index[0]
    dst = edge_index[1]
    pad_e = EP - E
    epad = jnp.full((pad_e,), N, jnp.int32)
    srcp = jnp.concatenate([src, epad])
    dstp = jnp.concatenate([dst, epad])
    xp = jnp.pad(x, ((0, NP - N), (0, 0)))
    gcol = jnp.concatenate(
        [graph_ids, jnp.full((NP - N,), NGP - 1, jnp.int32)]).reshape(NP, 1)

    sc_counts, sc_edge_pass = _sc_kernels()
    cntf = sc_counts(srcp, dstp)
    cntT = cntf.reshape(NTILES, 2, NP).transpose(2, 1, 0).reshape(NP, 2 * NTILES)
    y, nrm = _tc_prep(cntT, xp)
    pp = sc_edge_pass(srcp, dstp, y)
    h1, ys, ps = _tc_mid(pp, nrm, W1, b1.reshape(1, F))
    qp = sc_edge_pass(srcp, dstp, ys)
    hgp = _tc_out(qp, ps, h1, nrm, gcol, W2[:F], W2[F:], b2.reshape(1, F))
    return hgp[:NG]

# --- scband reference (transcript-rebuilt; emitter-appended) ---
"""Pipeline reference for scband-from-to-gcn-67276367725045 (READ-ONLY COPY).

The authoritative reference and input builder live on the scoring server;
editing this copy changes nothing except your own understanding.
"""

import jax, jax.numpy as jnp
import numpy as np

N = 10000
E = 320000
NFEAT = 128
NHID = 128
NOUT = 128
NGRAPHS = 100


def setup_inputs(seed: int = 0) -> dict:
    key = jax.random.key(seed)
    k1, k2, k3, k4, k5, k6, k7 = jax.random.split(key, 7)
    x = jax.random.normal(k1, (N, NFEAT), dtype=jnp.float32)
    edge_index = jax.random.randint(k2, (2, E), 0, N, dtype=jnp.int32)
    graph_ids = jnp.sort(jax.random.randint(k3, (N,), 0, NGRAPHS, dtype=jnp.int32))
    # GraphConv(nfeat, nhid) params
    W1 = jax.random.normal(k4, (NFEAT, NHID), dtype=jnp.float32) * 0.05
    b1 = jnp.zeros((NHID,), dtype=jnp.float32)
    # GraphConv(nhid + nfeat, nout) params
    W2 = jax.random.normal(k5, (NHID + NFEAT, NOUT), dtype=jnp.float32) * 0.05
    b2 = jnp.zeros((NOUT,), dtype=jnp.float32)
    return {"x": x, "edge_index": edge_index, "graph_ids": graph_ids,
            "W1": W1, "b1": b1, "W2": W2, "b2": b2}


def _graph_conv(x, src, dst, W, b):
    # DGL GraphConv with norm='both', bias=True
    out_deg = jnp.bincount(src, length=N).astype(jnp.float32)
    in_deg = jnp.bincount(dst, length=N).astype(jnp.float32)
    norm_src = jax.lax.rsqrt(jnp.clip(out_deg, 1.0, None))
    norm_dst = jax.lax.rsqrt(jnp.clip(in_deg, 1.0, None))
    h = x * norm_src[:, None]
    h = h @ W
    agg = jax.ops.segment_sum(h[src], dst, num_segments=N)
    agg = agg * norm_dst[:, None]
    return agg + b


def reference(x, edge_index, graph_ids, W1, b1, W2, b2):
    src = edge_index[0]
    dst = edge_index[1]
    H1 = jax.nn.relu(_graph_conv(x, src, dst, W1, b1))
    x2 = jnp.concatenate((H1, x), axis=1)
    # F.dropout with training=False is identity (eval mode)
    H2 = jax.nn.relu(_graph_conv(x2, src, dst, W2, b2))
    feat = jnp.concatenate((H1, H2), axis=1)
    # dgl.mean_nodes: per-graph mean over nodes
    sums = jax.ops.segment_sum(feat, graph_ids, num_segments=NGRAPHS)
    counts = jnp.bincount(graph_ids, length=NGRAPHS).astype(jnp.float32)
    hg = sums / jnp.clip(counts, 1.0, None)[:, None]
    return hg

if __name__ == "__main__":
    import jax
    _d = setup_inputs()
    print(jax.jit(kernel)(*tuple(_d.values())))

</pallas_src>

<mosaic_0001>
#map = affine_map<(d0, d1) -> (0)>
#map1 = affine_map<(d0, d1) -> (0, 0)>
#map2 = affine_map<(d0, d1) -> (0, 0, 0)>
module attributes {stable_mosaic.version = 14 : i64} {
  func.func @_sc_edge_pass_body(%arg0: i32, %arg1: i32, %arg2: memref<327680xi32, #tpu.memory_space<hbm>>, %arg3: memref<327680xi32, #tpu.memory_space<hbm>>, %arg4: memref<10240x128xf32, #tpu.memory_space<hbm>>, %arg5: memref<2x10240x128xf32, #tpu.memory_space<hbm>>, %arg6: memref<128xi32, #tpu.memory_space<vmem>>, %arg7: memref<128xi32, #tpu.memory_space<vmem>>, %arg8: memref<128x128xf32, #tpu.memory_space<vmem>>, %arg9: memref<!tpu.dma_semaphore, #tpu.memory_space<semaphore_mem>>, %arg10: memref<10240x128xf32, #tpu.memory_space<vmem_shared>>) attributes {dimension_semantics = [#tpu.dimension_semantics<core_parallel>, #tpu.dimension_semantics<subcore_parallel>], iteration_bounds = array<i64: 2, 16>, scalar_prefetch = 0 : i64, scratch_operands = 5 : i64, tpu.core_type = #tpu.core_type<sc_vector_subcore>, window_params = [{transform_indices = #map}, {transform_indices = #map}, {transform_indices = #map1}, {transform_indices = #map2}]} {
    %mul3A = arith.constant 16 : i32
    %mul3A_0 = arith.muli %arg0, %mul3A : i32
    %add3A = arith.addi %mul3A_0, %arg1 : i32
    %mul3A_1 = arith.constant 10240 : i32
    %mul3A_2 = arith.muli %add3A, %mul3A_1 : i32
    %scan3A = arith.constant 0 : i32
    %scan3A_3 = arith.constant 0 : i32
    %scan3A_4 = arith.constant 128 : i32
    %scan3A_5 = arith.addi %scan3A_3, %scan3A_4 : i32
    %scan3A_6 = arith.constant 1 : i32
    %scan3A_7 = scf.for %scan3A_28 = %scan3A_3 to %scan3A_5 step %scan3A_6 iter_args(%scan3A_29 = %scan3A) -> (i32)  : i32 {
      %scan3A_30 = arith.constant 0 : i32
      %scan3A_31 = arith.constant 0 : i32
      %scan3A_32 = arith.constant 8 : i32
      %scan3A_33 = arith.addi %scan3A_31, %scan3A_32 : i32
      %scan3A_34 = arith.constant 1 : i32
      %scan3A_35 = scf.for %scan3A_38 = %scan3A_31 to %scan3A_33 step %scan3A_34 iter_args(%scan3A_39 = %scan3A_30) -> (i32)  : i32 {
        %broadcast_in_dim3A = arith.constant 0.000000e+00 : f32
        %broadcast_in_dim3A_40 = vector.broadcast %broadcast_in_dim3A : f32 to vector<16xf32>
        %mul3A_41 = arith.constant 16 : i32
        %mul3A_42 = arith.muli %scan3A_38, %mul3A_41 : i32
        %swap3A = arith.index_cast %scan3A_28 : i32 to index
        %swap3A_43 = arith.index_cast %mul3A_42 : i32 to index
        %swap3A_44 = tpu.vector_load %arg8[%swap3A, %swap3A_43] {strides = array<i32>} : memref<128x128xf32, #tpu.memory_space<vmem>>, vector<1x16xf32>,
        %swap3A_45 = vector.shape_cast %swap3A_44 : vector<1x16xf32> to vector<16xf32>
        %swap3A_46 = vector.shape_cast %broadcast_in_dim3A_40 : vector<16xf32> to vector<1x16xf32>
        tpu.vector_store %arg8[%swap3A, %swap3A_43], %swap3A_46 {strides = array<i32>} : memref<128x128xf32, #tpu.memory_space<vmem>>, vector<1x16xf32>,
        %scan3A_47 = arith.constant 0 : i32
        scf.yield %scan3A_47 : i32
      }
      %scan3A_36 = arith.constant 8 : i32
      %scan3A_37 = arith.constant 0 : i32
      scf.yield %scan3A_37 : i32
    }
    %scan3A_8 = arith.constant 128 : i32
    %scan3A_9 = arith.constant 0 : i32
    %scan3A_10 = arith.constant 0 : i32
    %scan3A_11 = arith.constant 5 : i32
    %scan3A_12 = arith.addi %scan3A_10, %scan3A_11 : i32
    %scan3A_13 = arith.constant 1 : i32
    %scan3A_14 = scf.for %scan3A_28 = %scan3A_10 to %scan3A_12 step %scan3A_13 iter_args(%scan3A_29 = %scan3A_9) -> (i32)  : i32 {
      %mul3A_30 = arith.constant 640 : i32
      %mul3A_31 = arith.muli %arg1, %mul3A_30 : i32
      %mul3A_32 = arith.constant 128 : i32
      %mul3A_33 = arith.muli %scan3A_28, %mul3A_32 : i32
      %add3A_34 = arith.addi %mul3A_31, %mul3A_33 : i32
      "tpu.region"() ({
        %run_scoped3A = tpu.sem_alloc : memref<!tpu.dma_semaphore, #tpu.memory_space<semaphore_mem>>
        %dma_start3A = arith.constant 0 : i32
        %dma_start3A_36 = tpu.memref_slice %arg10[%add3A_34, %dma_start3A] : memref<10240x128xf32, #tpu.memory_space<vmem_shared>> -> memref<128x128xf32, #tpu.memory_space<vmem_shared>>
        %dma_start3A_37 = arith.constant 0 : i32
        %dma_start3A_38 = tpu.memref_slice %arg10[%add3A_34, %dma_start3A_37] : memref<10240x128xf32, #tpu.memory_space<vmem_shared>> -> memref<128x128xf32, #tpu.memory_space<vmem_shared>>
        tpu.enqueue_dma source(%arg8 : memref<128x128xf32, #tpu.memory_space<vmem>>) target(%dma_start3A_38 : memref<128x128xf32, #tpu.memory_space<vmem_shared>>) target_semaphore(%run_scoped3A : memref<!tpu.dma_semaphore, #tpu.memory_space<semaphore_mem>>)
        %dma_wait3A = arith.constant 0 : i32
        %dma_wait3A_39 = tpu.memref_slice %arg10[%add3A_34, %dma_wait3A] : memref<10240x128xf32, #tpu.memory_space<vmem_shared>> -> memref<128x128xf32, #tpu.memory_space<vmem_shared>>
        %dma_wait3A_40 = arith.constant 0 : i32
        %dma_wait3A_41 = tpu.memref_slice %arg10[%add3A_34, %dma_wait3A_40] : memref<10240x128xf32, #tpu.memory_space<vmem_shared>> -> memref<128x128xf32, #tpu.memory_space<vmem_shared>>
        tpu.wait_dma2 semaphore(%run_scoped3A : memref<!tpu.dma_semaphore, #tpu.memory_space<semaphore_mem>>) src(%arg8 : memref<128x128xf32, #tpu.memory_space<vmem>>) dst(%dma_wait3A_41 : memref<128x128xf32, #tpu.memory_space<vmem_shared>>)
        tpu.yield
      }) : () -> ()
      %scan3A_35 = arith.constant 0 : i32
      scf.yield %scan3A_35 : i32
    }
    %scan3A_15 = arith.constant 5 : i32
    %barrier3A = arith.constant 0 : index
    tpu.barrier barrier_id(%barrier3A)
    %scan3A_16 = arith.constant 0 : i32
    %scan3A_17 = arith.constant 0 : i32
    %scan3A_18 = arith.constant 80 : i32
    %scan3A_19 = arith.addi %scan3A_17, %scan3A_18 : i32
    %scan3A_20 = arith.constant 1 : i32
    %scan3A_21 = scf.for %scan3A_28 = %scan3A_17 to %scan3A_19 step %scan3A_20 iter_args(%scan3A_29 = %scan3A_16) -> (i32)  : i32 {
      %mul3A_30 = arith.constant 128 : i32
      %mul3A_31 = arith.muli %scan3A_28, %mul3A_30 : i32
      %add3A_32 = arith.addi %mul3A_2, %mul3A_31 : i32
      "tpu.region"() ({
        %run_scoped3A = tpu.sem_alloc : memref<!tpu.dma_semaphore, #tpu.memory_space<semaphore_mem>>
        %dma_start3A_38 = tpu.memref_slice %arg2[%add3A_32] : memref<327680xi32, #tpu.memory_space<hbm>> -> memref<128xi32, #tpu.memory_space<hbm>>
        %dma_start3A_39 = tpu.memref_slice %arg2[%add3A_32] : memref<327680xi32, #tpu.memory_space<hbm>> -> memref<128xi32, #tpu.memory_space<hbm>>
        tpu.enqueue_dma source(%dma_start3A_39 : memref<128xi32, #tpu.memory_space<hbm>>) target(%arg6 : memref<128xi32, #tpu.memory_space<vmem>>) target_semaphore(%run_scoped3A : memref<!tpu.dma_semaphore, #tpu.memory_space<semaphore_mem>>)
        %dma_wait3A_40 = tpu.memref_slice %arg2[%add3A_32] : memref<327680xi32, #tpu.memory_space<hbm>> -> memref<128xi32, #tpu.memory_space<hbm>>
        %dma_wait3A_41 = tpu.memref_slice %arg2[%add3A_32] : memref<327680xi32, #tpu.memory_space<hbm>> -> memref<128xi32, #tpu.memory_space<hbm>>
        tpu.wait_dma2 semaphore(%run_scoped3A : memref<!tpu.dma_semaphore, #tpu.memory_space<semaphore_mem>>) src(%dma_wait3A_41 : memref<128xi32, #tpu.memory_space<hbm>>) dst(%arg6 : memref<128xi32, #tpu.memory_space<vmem>>)
        tpu.yield
      }) : () -> ()
      "tpu.region"() ({
        %run_scoped3A = tpu.sem_alloc : memref<!tpu.dma_semaphore, #tpu.memory_space<semaphore_mem>>
        %dma_start3A_38 = tpu.memref_slice %arg3[%add3A_32] : memref<327680xi32, #tpu.memory_space<hbm>> -> memref<128xi32, #tpu.memory_space<hbm>>
        %dma_start3A_39 = tpu.memref_slice %arg3[%add3A_32] : memref<327680xi32, #tpu.memory_space<hbm>> -> memref<128xi32, #tpu.memory_space<hbm>>
        tpu.enqueue_dma source(%dma_start3A_39 : memref<128xi32, #tpu.memory_space<hbm>>) target(%arg7 : memref<128xi32, #tpu.memory_space<vmem>>) target_semaphore(%run_scoped3A : memref<!tpu.dma_semaphore, #tpu.memory_space<semaphore_mem>>)
        %dma_wait3A_40 = tpu.memref_slice %arg3[%add3A_32] : memref<327680xi32, #tpu.memory_space<hbm>> -> memref<128xi32, #tpu.memory_space<hbm>>
        %dma_wait3A_41 = tpu.memref_slice %arg3[%add3A_32] : memref<327680xi32, #tpu.memory_space<hbm>> -> memref<128xi32, #tpu.memory_space<hbm>>
        tpu.wait_dma2 semaphore(%run_scoped3A : memref<!tpu.dma_semaphore, #tpu.memory_space<semaphore_mem>>) src(%dma_wait3A_41 : memref<128xi32, #tpu.memory_space<hbm>>) dst(%arg7 : memref<128xi32, #tpu.memory_space<vmem>>)
        tpu.yield
      }) : () -> ()
      %dma_start3A = arith.constant 0 : i32
      %dma_start3A_33 = arith.constant 0 : i32
      %dma_start3A_34 = tpu.memref_slice %arg4[%dma_start3A, %dma_start3A_33] : memref<10240x128xf32, #tpu.memory_space<hbm>> -> memref<10240x128xf32, #tpu.memory_space<hbm>>
      tpu.enqueue_indirect_dma source(%dma_start3A_34 : memref<10240x128xf32, #tpu.memory_space<hbm>>) target(%arg8 : memref<128x128xf32, #tpu.memory_space<vmem>>) offsets(%arg6 : memref<128xi32, #tpu.memory_space<vmem>>) semaphore(%arg9 : memref<!tpu.dma_semaphore, #tpu.memory_space<semaphore_mem>>)
      %dma_wait3A = arith.constant 0 : i32
      %dma_wait3A_35 = arith.constant 0 : i32
      %dma_wait3A_36 = tpu.memref_slice %arg4[%dma_wait3A, %dma_wait3A_35] : memref<10240x128xf32, #tpu.memory_space<hbm>> -> memref<10240x128xf32, #tpu.memory_space<hbm>>
      tpu.wait_indirect_dma semaphore(%arg9 : memref<!tpu.dma_semaphore, #tpu.memory_space<semaphore_mem>>) src(%dma_wait3A_36 : memref<10240x128xf32, #tpu.memory_space<hbm>>) dst(%arg8 : memref<128x128xf32, #tpu.memory_space<vmem>>)
      "tpu.region"() ({
        %run_scoped3A = tpu.sem_alloc : memref<!tpu.dma_semaphore, #tpu.memory_space<semaphore_mem>>
        %dma_start3A_38 = arith.constant 0 : i32
        %dma_start3A_39 = arith.constant 0 : i32
        %dma_start3A_40 = tpu.memref_slice %arg10[%dma_start3A_38, %dma_start3A_39] : memref<10240x128xf32, #tpu.memory_space<vmem_shared>> -> memref<10240x128xf32, #tpu.memory_space<vmem_shared>>
        tpu.enqueue_indirect_dma source(%arg8 : memref<128x128xf32, #tpu.memory_space<vmem>>) target(%dma_start3A_40 : memref<10240x128xf32, #tpu.memory_space<vmem_shared>>) offsets(%arg7 : memref<128xi32, #tpu.memory_space<vmem>>) semaphore(%run_scoped3A : memref<!tpu.dma_semaphore, #tpu.memory_space<semaphore_mem>>) {add = true}
        %dma_wait3A_41 = arith.constant 0 : i32
        %dma_wait3A_42 = arith.constant 0 : i32
        %dma_wait3A_43 = tpu.memref_slice %arg10[%dma_wait3A_41, %dma_wait3A_42] : memref<10240x128xf32, #tpu.memory_space<vmem_shared>> -> memref<10240x128xf32, #tpu.memory_space<vmem_shared>>
        tpu.wait_indirect_dma semaphore(%run_scoped3A : memref<!tpu.dma_semaphore, #tpu.memory_space<semaphore_mem>>) src(%arg8 : memref<128x128xf32, #tpu.memory_space<vmem>>) dst(%dma_wait3A_43 : memref<10240x128xf32, #tpu.memory_space<vmem_shared>>)
        tpu.yield
      }) : () -> ()
      %scan3A_37 = arith.constant 0 : i32
      scf.yield %scan3A_37 : i32
    }
    %scan3A_22 = arith.constant 80 : i32
    %barrier3A_23 = arith.constant 0 : index
    tpu.barrier barrier_id(%barrier3A_23)
    %mul3A_24 = arith.constant 640 : i32
    %mul3A_25 = arith.muli %arg1, %mul3A_24 : i32
    %mul3A_26 = arith.constant 640 : i32
    %mul3A_27 = arith.muli %arg1, %mul3A_26 : i32
    "tpu.region"() ({
      %run_scoped3A = tpu.sem_alloc : memref<!tpu.dma_semaphore, #tpu.memory_space<semaphore_mem>>
      %dma_start3A = arith.constant 0 : i32
      %dma_start3A_28 = tpu.memref_slice %arg5[%arg0, %mul3A_27, %dma_start3A] : memref<2x10240x128xf32, #tpu.memory_space<hbm>> -> memref<1x640x128xf32, #tpu.memory_space<hbm>>
      %dma_start3A_29 = tpu.memref_squeeze %dma_start3A_28 : memref<1x640x128xf32, #tpu.memory_space<hbm>> -> memref<640x128xf32, #tpu.memory_space<hbm>>
      %dma_start3A_30 = arith.constant 0 : i32
      %dma_start3A_31 = tpu.memref_slice %arg10[%mul3A_25, %dma_start3A_30] : memref<10240x128xf32, #tpu.memory_space<vmem_shared>> -> memref<640x128xf32, #tpu.memory_space<vmem_shared>>
      tpu.enqueue_dma source(%dma_start3A_31 : memref<640x128xf32, #tpu.memory_space<vmem_shared>>) target(%dma_start3A_29 : memref<640x128xf32, #tpu.memory_space<hbm>>) target_semaphore(%run_scoped3A : memref<!tpu.dma_semaphore, #tpu.memory_space<semaphore_mem>>)
      %dma_wait3A = arith.constant 0 : i32
      %dma_wait3A_32 = tpu.memref_slice %arg5[%arg0, %mul3A_27, %dma_wait3A] : memref<2x10240x128xf32, #tpu.memory_space<hbm>> -> memref<1x640x128xf32, #tpu.memory_space<hbm>>
      %dma_wait3A_33 = tpu.memref_squeeze %dma_wait3A_32 : memref<1x640x128xf32, #tpu.memory_space<hbm>> -> memref<640x128xf32, #tpu.memory_space<hbm>>
      %dma_wait3A_34 = arith.constant 0 : i32
      %dma_wait3A_35 = tpu.memref_slice %arg10[%mul3A_25, %dma_wait3A_34] : memref<10240x128xf32, #tpu.memory_space<vmem_shared>> -> memref<640x128xf32, #tpu.memory_space<vmem_shared>>
      tpu.wait_dma2 semaphore(%run_scoped3A : memref<!tpu.dma_semaphore, #tpu.memory_space<semaphore_mem>>) src(%dma_wait3A_35 : memref<640x128xf32, #tpu.memory_space<vmem_shared>>) dst(%dma_wait3A_33 : memref<640x128xf32, #tpu.memory_space<hbm>>)
      tpu.yield
    }) : () -> ()
    return
  }
}

#map = affine_map<(d0, d1) -> (0)>
module attributes {stable_mosaic.version = 14 : i64} {
  func.func @_sc_counts_body(%arg0: i32, %arg1: i32, %arg2: memref<327680xi32, #tpu.memory_space<hbm>>, %arg3: memref<327680xi32, #tpu.memory_space<hbm>>, %arg4: memref<655360xf32, #tpu.memory_space<hbm>>, %arg5: memref<1024xi32, #tpu.memory_space<vmem>>, %arg6: memref<1024xi32, #tpu.memory_space<vmem>>, %arg7: memref<10240xf32, #tpu.memory_space<vmem>>, %arg8: memref<10240xf32, #tpu.memory_space<vmem>>) attributes {dimension_semantics = [#tpu.dimension_semantics<core_parallel>, #tpu.dimension_semantics<subcore_parallel>], iteration_bounds = array<i64: 2, 16>, scalar_prefetch = 0 : i64, scratch_operands = 4 : i64, tpu.core_type = #tpu.core_type<sc_vector_subcore>, window_params = [{transform_indices = #map}, {transform_indices = #map}, {transform_indices = #map}]} {
    %mul3A = arith.constant 16 : i32
    %mul3A_0 = arith.muli %arg0, %mul3A : i32
    %add3A = arith.addi %mul3A_0, %arg1 : i32
    %scan3A = arith.constant 0 : i32
    %scan3A_1 = arith.constant 0 : i32
    %scan3A_2 = arith.constant 640 : i32
    %scan3A_3 = arith.addi %scan3A_1, %scan3A_2 : i32
    %scan3A_4 = arith.constant 1 : i32
    %scan3A_5 = scf.for %scan3A_27 = %scan3A_1 to %scan3A_3 step %scan3A_4 iter_args(%scan3A_28 = %scan3A) -> (i32)  : i32 {
      %broadcast_in_dim3A_29 = arith.constant 0.000000e+00 : f32
      %broadcast_in_dim3A_30 = vector.broadcast %broadcast_in_dim3A_29 : f32 to vector<16xf32>
      %mul3A_31 = arith.constant 16 : i32
      %mul3A_32 = arith.muli %scan3A_27, %mul3A_31 : i32
      %swap3A = arith.index_cast %mul3A_32 : i32 to index
      %swap3A_33 = tpu.vector_load %arg7[%swap3A] {strides = array<i32>} : memref<10240xf32, #tpu.memory_space<vmem>>, vector<16xf32>,
      tpu.vector_store %arg7[%swap3A], %broadcast_in_dim3A_30 {strides = array<i32>} : memref<10240xf32, #tpu.memory_space<vmem>>, vector<16xf32>,
      %broadcast_in_dim3A_34 = arith.constant 0.000000e+00 : f32
      %broadcast_in_dim3A_35 = vector.broadcast %broadcast_in_dim3A_34 : f32 to vector<16xf32>
      %mul3A_36 = arith.constant 16 : i32
      %mul3A_37 = arith.muli %scan3A_27, %mul3A_36 : i32
      %swap3A_38 = arith.index_cast %mul3A_37 : i32 to index
      %swap3A_39 = tpu.vector_load %arg8[%swap3A_38] {strides = array<i32>} : memref<10240xf32, #tpu.memory_space<vmem>>, vector<16xf32>,
      tpu.vector_store %arg8[%swap3A_38], %broadcast_in_dim3A_35 {strides = array<i32>} : memref<10240xf32, #tpu.memory_space<vmem>>, vector<16xf32>,
      %scan3A_40 = arith.constant 0 : i32
      scf.yield %scan3A_40 : i32
    }
    %scan3A_6 = arith.constant 640 : i32
    %broadcast_in_dim3A = arith.constant 1.000000e+00 : f32
    %broadcast_in_dim3A_7 = vector.broadcast %broadcast_in_dim3A : f32 to vector<16xf32>
    %mul3A_8 = arith.constant 10240 : i32
    %mul3A_9 = arith.muli %add3A, %mul3A_8 : i32
    %scan3A_10 = arith.constant 0 : i32
    %scan3A_11 = arith.constant 0 : i32
    %scan3A_12 = arith.constant 10 : i32
    %scan3A_13 = arith.addi %scan3A_11, %scan3A_12 : i32
    %scan3A_14 = arith.constant 1 : i32
    %scan3A_15 = scf.for %scan3A_27 = %scan3A_11 to %scan3A_13 step %scan3A_14 iter_args(%scan3A_28 = %scan3A_10) -> (i32)  : i32 {
      %mul3A_29 = arith.constant 1024 : i32
      %mul3A_30 = arith.muli %scan3A_27, %mul3A_29 : i32
      %add3A_31 = arith.addi %mul3A_9, %mul3A_30 : i32
      "tpu.region"() ({
        %run_scoped3A = tpu.sem_alloc : memref<!tpu.dma_semaphore, #tpu.memory_space<semaphore_mem>>
        %dma_start3A = tpu.memref_slice %arg2[%add3A_31] : memref<327680xi32, #tpu.memory_space<hbm>> -> memref<1024xi32, #tpu.memory_space<hbm>>
        %dma_start3A_43 = tpu.memref_slice %arg2[%add3A_31] : memref<327680xi32, #tpu.memory_space<hbm>> -> memref<1024xi32, #tpu.memory_space<hbm>>
        tpu.enqueue_dma source(%dma_start3A_43 : memref<1024xi32, #tpu.memory_space<hbm>>) target(%arg5 : memref<1024xi32, #tpu.memory_space<vmem>>) target_semaphore(%run_scoped3A : memref<!tpu.dma_semaphore, #tpu.memory_space<semaphore_mem>>)
        %dma_wait3A = tpu.memref_slice %arg2[%add3A_31] : memref<327680xi32, #tpu.memory_space<hbm>> -> memref<1024xi32, #tpu.memory_space<hbm>>
        %dma_wait3A_44 = tpu.memref_slice %arg2[%add3A_31] : memref<327680xi32, #tpu.memory_space<hbm>> -> memref<1024xi32, #tpu.memory_space<hbm>>
        tpu.wait_dma2 semaphore(%run_scoped3A : memref<!tpu.dma_semaphore, #tpu.memory_space<semaphore_mem>>) src(%dma_wait3A_44 : memref<1024xi32, #tpu.memory_space<hbm>>) dst(%arg5 : memref<1024xi32, #tpu.memory_space<vmem>>)
        tpu.yield
      }) : () -> ()
      %mul3A_32 = arith.constant 1024 : i32
      %mul3A_33 = arith.muli %scan3A_27, %mul3A_32 : i32
      %add3A_34 = arith.addi %mul3A_9, %mul3A_33 : i32
      "tpu.region"() ({
        %run_scoped3A = tpu.sem_alloc : memref<!tpu.dma_semaphore, #tpu.memory_space<semaphore_mem>>
        %dma_start3A = tpu.memref_slice %arg3[%add3A_34] : memref<327680xi32, #tpu.memory_space<hbm>> -> memref<1024xi32, #tpu.memory_space<hbm>>
        %dma_start3A_43 = tpu.memref_slice %arg3[%add3A_34] : memref<327680xi32, #tpu.memory_space<hbm>> -> memref<1024xi32, #tpu.memory_space<hbm>>
        tpu.enqueue_dma source(%dma_start3A_43 : memref<1024xi32, #tpu.memory_space<hbm>>) target(%arg6 : memref<1024xi32, #tpu.memory_space<vmem>>) target_semaphore(%run_scoped3A : memref<!tpu.dma_semaphore, #tpu.memory_space<semaphore_mem>>)
        %dma_wait3A = tpu.memref_slice %arg3[%add3A_34] : memref<327680xi32, #tpu.memory_space<hbm>> -> memref<1024xi32, #tpu.memory_space<hbm>>
        %dma_wait3A_44 = tpu.memref_slice %arg3[%add3A_34] : memref<327680xi32, #tpu.memory_space<hbm>> -> memref<1024xi32, #tpu.memory_space<hbm>>
        tpu.wait_dma2 semaphore(%run_scoped3A : memref<!tpu.dma_semaphore, #tpu.memory_space<semaphore_mem>>) src(%dma_wait3A_44 : memref<1024xi32, #tpu.memory_space<hbm>>) dst(%arg6 : memref<1024xi32, #tpu.memory_space<vmem>>)
        tpu.yield
      }) : () -> ()
      %scan3A_35 = arith.constant 0 : i32
      %scan3A_36 = arith.constant 0 : i32
      %scan3A_37 = arith.constant 64 : i32
      %scan3A_38 = arith.addi %scan3A_36, %scan3A_37 : i32
      %scan3A_39 = arith.constant 1 : i32
      %scan3A_40 = scf.for %scan3A_43 = %scan3A_36 to %scan3A_38 step %scan3A_39 iter_args(%scan3A_44 = %scan3A_35) -> (i32)  : i32 {
        %mul3A_45 = arith.constant 16 : i32
        %mul3A_46 = arith.muli %scan3A_43, %mul3A_45 : i32
        %get3A = arith.index_cast %mul3A_46 : i32 to index
        %get3A_47 = tpu.vector_load %arg5[%get3A] {strides = array<i32>} : memref<1024xi32, #tpu.memory_space<vmem>>, vector<16xi32>,
        tpu.vector_store_idx %arg7[%get3A_47], %broadcast_in_dim3A_7 {add = true} : memref<10240xf32, #tpu.memory_space<vmem>>[vector<16xi32>], vector<16xf32>,
        %mul3A_48 = arith.constant 16 : i32
        %mul3A_49 = arith.muli %scan3A_43, %mul3A_48 : i32
        %get3A_50 = arith.index_cast %mul3A_49 : i32 to index
        %get3A_51 = tpu.vector_load %arg6[%get3A_50] {strides = array<i32>} : memref<1024xi32, #tpu.memory_space<vmem>>, vector<16xi32>,
        tpu.vector_store_idx %arg8[%get3A_51], %broadcast_in_dim3A_7 {add = true} : memref<10240xf32, #tpu.memory_space<vmem>>[vector<16xi32>], vector<16xf32>,
        %scan3A_52 = arith.constant 0 : i32
        scf.yield %scan3A_52 : i32
      }
      %scan3A_41 = arith.constant 64 : i32
      %scan3A_42 = arith.constant 0 : i32
      scf.yield %scan3A_42 : i32
    }
    %scan3A_16 = arith.constant 10 : i32
    %mul3A_17 = arith.constant 2 : i32
    %mul3A_18 = arith.muli %add3A, %mul3A_17 : i32
    %mul3A_19 = arith.constant 10240 : i32
    %mul3A_20 = arith.muli %mul3A_18, %mul3A_19 : i32
    "tpu.region"() ({
      %run_scoped3A = tpu.sem_alloc : memref<!tpu.dma_semaphore, #tpu.memory_space<semaphore_mem>>
      %dma_start3A = tpu.memref_slice %arg4[%mul3A_20] : memref<655360xf32, #tpu.memory_space<hbm>> -> memref<10240xf32, #tpu.memory_space<hbm>>
      %dma_start3A_27 = tpu.memref_slice %arg4[%mul3A_20] : memref<655360xf32, #tpu.memory_space<hbm>> -> memref<10240xf32, #tpu.memory_space<hbm>>
      tpu.enqueue_dma source(%arg7 : memref<10240xf32, #tpu.memory_space<vmem>>) target(%dma_start3A_27 : memref<10240xf32, #tpu.memory_space<hbm>>) target_semaphore(%run_scoped3A : memref<!tpu.dma_semaphore, #tpu.memory_space<semaphore_mem>>)
      %dma_wait3A = tpu.memref_slice %arg4[%mul3A_20] : memref<655360xf32, #tpu.memory_space<hbm>> -> memref<10240xf32, #tpu.memory_space<hbm>>
      %dma_wait3A_28 = tpu.memref_slice %arg4[%mul3A_20] : memref<655360xf32, #tpu.memory_space<hbm>> -> memref<10240xf32, #tpu.memory_space<hbm>>
      tpu.wait_dma2 semaphore(%run_scoped3A : memref<!tpu.dma_semaphore, #tpu.memory_space<semaphore_mem>>) src(%arg7 : memref<10240xf32, #tpu.memory_space<vmem>>) dst(%dma_wait3A_28 : memref<10240xf32, #tpu.memory_space<hbm>>)
      tpu.yield
    }) : () -> ()
    %mul3A_21 = arith.constant 2 : i32
    %mul3A_22 = arith.muli %add3A, %mul3A_21 : i32
    %mul3A_23 = arith.constant 10240 : i32
    %mul3A_24 = arith.muli %mul3A_22, %mul3A_23 : i32
    %add3A_25 = arith.constant 10240 : i32
    %add3A_26 = arith.addi %mul3A_24, %add3A_25 : i32
    "tpu.region"() ({
      %run_scoped3A = tpu.sem_alloc : memref<!tpu.dma_semaphore, #tpu.memory_space<semaphore_mem>>
      %dma_start3A = tpu.memref_slice %arg4[%add3A_26] : memref<655360xf32, #tpu.memory_space<hbm>> -> memref<10240xf32, #tpu.memory_space<hbm>>
      %dma_start3A_27 = tpu.memref_slice %arg4[%add3A_26] : memref<655360xf32, #tpu.memory_space<hbm>> -> memref<10240xf32, #tpu.memory_space<hbm>>
      tpu.enqueue_dma source(%arg8 : memref<10240xf32, #tpu.memory_space<vmem>>) target(%dma_start3A_27 : memref<10240xf32, #tpu.memory_space<hbm>>) target_semaphore(%run_scoped3A : memref<!tpu.dma_semaphore, #tpu.memory_space<semaphore_mem>>)
      %dma_wait3A = tpu.memref_slice %arg4[%add3A_26] : memref<655360xf32, #tpu.memory_space<hbm>> -> memref<10240xf32, #tpu.memory_space<hbm>>
      %dma_wait3A_28 = tpu.memref_slice %arg4[%add3A_26] : memref<655360xf32, #tpu.memory_space<hbm>> -> memref<10240xf32, #tpu.memory_space<hbm>>
      tpu.wait_dma2 semaphore(%run_scoped3A : memref<!tpu.dma_semaphore, #tpu.memory_space<semaphore_mem>>) src(%arg8 : memref<10240xf32, #tpu.memory_space<vmem>>) dst(%dma_wait3A_28 : memref<10240xf32, #tpu.memory_space<hbm>>)
      tpu.yield
    }) : () -> ()
    return
  }
}

#map = affine_map<(d0, d1) -> (0)>
#map1 = affine_map<(d0, d1) -> (0, 0)>
#map2 = affine_map<(d0, d1) -> (0, 0, 0)>
module attributes {stable_mosaic.version = 14 : i64} {
  func.func @_sc_edge_pass_body(%arg0: i32, %arg1: i32, %arg2: memref<327680xi32, #tpu.memory_space<hbm>>, %arg3: memref<327680xi32, #tpu.memory_space<hbm>>, %arg4: memref<10240x128xf32, #tpu.memory_space<hbm>>, %arg5: memref<2x10240x128xf32, #tpu.memory_space<hbm>>, %arg6: memref<128xi32, #tpu.memory_space<vmem>>, %arg7: memref<128xi32, #tpu.memory_space<vmem>>, %arg8: memref<128x128xf32, #tpu.memory_space<vmem>>, %arg9: memref<!tpu.dma_semaphore, #tpu.memory_space<semaphore_mem>>, %arg10: memref<10240x128xf32, #tpu.memory_space<vmem_shared>>) attributes {dimension_semantics = [#tpu.dimension_semantics<core_parallel>, #tpu.dimension_semantics<subcore_parallel>], iteration_bounds = array<i64: 2, 16>, scalar_prefetch = 0 : i64, scratch_operands = 5 : i64, tpu.core_type = #tpu.core_type<sc_vector_subcore>, window_params = [{transform_indices = #map}, {transform_indices = #map}, {transform_indices = #map1}, {transform_indices = #map2}]} {
    %mul3A = arith.constant 16 : i32
    %mul3A_0 = arith.muli %arg0, %mul3A : i32
    %add3A = arith.addi %mul3A_0, %arg1 : i32
    %mul3A_1 = arith.constant 10240 : i32
    %mul3A_2 = arith.muli %add3A, %mul3A_1 : i32
    %scan3A = arith.constant 0 : i32
    %scan3A_3 = arith.constant 0 : i32
    %scan3A_4 = arith.constant 128 : i32
    %scan3A_5 = arith.addi %scan3A_3, %scan3A_4 : i32
    %scan3A_6 = arith.constant 1 : i32
    %scan3A_7 = scf.for %scan3A_28 = %scan3A_3 to %scan3A_5 step %scan3A_6 iter_args(%scan3A_29 = %scan3A) -> (i32)  : i32 {
      %scan3A_30 = arith.constant 0 : i32
      %scan3A_31 = arith.constant 0 : i32
      %scan3A_32 = arith.constant 8 : i32
      %scan3A_33 = arith.addi %scan3A_31, %scan3A_32 : i32
      %scan3A_34 = arith.constant 1 : i32
      %scan3A_35 = scf.for %scan3A_38 = %scan3A_31 to %scan3A_33 step %scan3A_34 iter_args(%scan3A_39 = %scan3A_30) -> (i32)  : i32 {
        %broadcast_in_dim3A = arith.constant 0.000000e+00 : f32
        %broadcast_in_dim3A_40 = vector.broadcast %broadcast_in_dim3A : f32 to vector<16xf32>
        %mul3A_41 = arith.constant 16 : i32
        %mul3A_42 = arith.muli %scan3A_38, %mul3A_41 : i32
        %swap3A = arith.index_cast %scan3A_28 : i32 to index
        %swap3A_43 = arith.index_cast %mul3A_42 : i32 to index
        %swap3A_44 = tpu.vector_load %arg8[%swap3A, %swap3A_43] {strides = array<i32>} : memref<128x128xf32, #tpu.memory_space<vmem>>, vector<1x16xf32>,
        %swap3A_45 = vector.shape_cast %swap3A_44 : vector<1x16xf32> to vector<16xf32>
        %swap3A_46 = vector.shape_cast %broadcast_in_dim3A_40 : vector<16xf32> to vector<1x16xf32>
        tpu.vector_store %arg8[%swap3A, %swap3A_43], %swap3A_46 {strides = array<i32>} : memref<128x128xf32, #tpu.memory_space<vmem>>, vector<1x16xf32>,
        %scan3A_47 = arith.constant 0 : i32
        scf.yield %scan3A_47 : i32
      }
      %scan3A_36 = arith.constant 8 : i32
      %scan3A_37 = arith.constant 0 : i32
      scf.yield %scan3A_37 : i32
    }
    %scan3A_8 = arith.constant 128 : i32
    %scan3A_9 = arith.constant 0 : i32
    %scan3A_10 = arith.constant 0 : i32
    %scan3A_11 = arith.constant 5 : i32
    %scan3A_12 = arith.addi %scan3A_10, %scan3A_11 : i32
    %scan3A_13 = arith.constant 1 : i32
    %scan3A_14 = scf.for %scan3A_28 = %scan3A_10 to %scan3A_12 step %scan3A_13 iter_args(%scan3A_29 = %scan3A_9) -> (i32)  : i32 {
      %mul3A_30 = arith.constant 640 : i32
      %mul3A_31 = arith.muli %arg1, %mul3A_30 : i32
      %mul3A_32 = arith.constant 128 : i32
      %mul3A_33 = arith.muli %scan3A_28, %mul3A_32 : i32
      %add3A_34 = arith.addi %mul3A_31, %mul3A_33 : i32
      "tpu.region"() ({
        %run_scoped3A = tpu.sem_alloc : memref<!tpu.dma_semaphore, #tpu.memory_space<semaphore_mem>>
        %dma_start3A = arith.constant 0 : i32
        %dma_start3A_36 = tpu.memref_slice %arg10[%add3A_34, %dma_start3A] : memref<10240x128xf32, #tpu.memory_space<vmem_shared>> -> memref<128x128xf32, #tpu.memory_space<vmem_shared>>
        %dma_start3A_37 = arith.constant 0 : i32
        %dma_start3A_38 = tpu.memref_slice %arg10[%add3A_34, %dma_start3A_37] : memref<10240x128xf32, #tpu.memory_space<vmem_shared>> -> memref<128x128xf32, #tpu.memory_space<vmem_shared>>
        tpu.enqueue_dma source(%arg8 : memref<128x128xf32, #tpu.memory_space<vmem>>) target(%dma_start3A_38 : memref<128x128xf32, #tpu.memory_space<vmem_shared>>) target_semaphore(%run_scoped3A : memref<!tpu.dma_semaphore, #tpu.memory_space<semaphore_mem>>)
        %dma_wait3A = arith.constant 0 : i32
        %dma_wait3A_39 = tpu.memref_slice %arg10[%add3A_34, %dma_wait3A] : memref<10240x128xf32, #tpu.memory_space<vmem_shared>> -> memref<128x128xf32, #tpu.memory_space<vmem_shared>>
        %dma_wait3A_40 = arith.constant 0 : i32
        %dma_wait3A_41 = tpu.memref_slice %arg10[%add3A_34, %dma_wait3A_40] : memref<10240x128xf32, #tpu.memory_space<vmem_shared>> -> memref<128x128xf32, #tpu.memory_space<vmem_shared>>
        tpu.wait_dma2 semaphore(%run_scoped3A : memref<!tpu.dma_semaphore, #tpu.memory_space<semaphore_mem>>) src(%arg8 : memref<128x128xf32, #tpu.memory_space<vmem>>) dst(%dma_wait3A_41 : memref<128x128xf32, #tpu.memory_space<vmem_shared>>)
        tpu.yield
      }) : () -> ()
      %scan3A_35 = arith.constant 0 : i32
      scf.yield %scan3A_35 : i32
    }
    %scan3A_15 = arith.constant 5 : i32
    %barrier3A = arith.constant 0 : index
    tpu.barrier barrier_id(%barrier3A)
    %scan3A_16 = arith.constant 0 : i32
    %scan3A_17 = arith.constant 0 : i32
    %scan3A_18 = arith.constant 80 : i32
    %scan3A_19 = arith.addi %scan3A_17, %scan3A_18 : i32
    %scan3A_20 = arith.constant 1 : i32
    %scan3A_21 = scf.for %scan3A_28 = %scan3A_17 to %scan3A_19 step %scan3A_20 iter_args(%scan3A_29 = %scan3A_16) -> (i32)  : i32 {
      %mul3A_30 = arith.constant 128 : i32
      %mul3A_31 = arith.muli %scan3A_28, %mul3A_30 : i32
      %add3A_32 = arith.addi %mul3A_2, %mul3A_31 : i32
      "tpu.region"() ({
        %run_scoped3A = tpu.sem_alloc : memref<!tpu.dma_semaphore, #tpu.memory_space<semaphore_mem>>
        %dma_start3A_38 = tpu.memref_slice %arg2[%add3A_32] : memref<327680xi32, #tpu.memory_space<hbm>> -> memref<128xi32, #tpu.memory_space<hbm>>
        %dma_start3A_39 = tpu.memref_slice %arg2[%add3A_32] : memref<327680xi32, #tpu.memory_space<hbm>> -> memref<128xi32, #tpu.memory_space<hbm>>
        tpu.enqueue_dma source(%dma_start3A_39 : memref<128xi32, #tpu.memory_space<hbm>>) target(%arg6 : memref<128xi32, #tpu.memory_space<vmem>>) target_semaphore(%run_scoped3A : memref<!tpu.dma_semaphore, #tpu.memory_space<semaphore_mem>>)
        %dma_wait3A_40 = tpu.memref_slice %arg2[%add3A_32] : memref<327680xi32, #tpu.memory_space<hbm>> -> memref<128xi32, #tpu.memory_space<hbm>>
        %dma_wait3A_41 = tpu.memref_slice %arg2[%add3A_32] : memref<327680xi32, #tpu.memory_space<hbm>> -> memref<128xi32, #tpu.memory_space<hbm>>
        tpu.wait_dma2 semaphore(%run_scoped3A : memref<!tpu.dma_semaphore, #tpu.memory_space<semaphore_mem>>) src(%dma_wait3A_41 : memref<128xi32, #tpu.memory_space<hbm>>) dst(%arg6 : memref<128xi32, #tpu.memory_space<vmem>>)
        tpu.yield
      }) : () -> ()
      "tpu.region"() ({
        %run_scoped3A = tpu.sem_alloc : memref<!tpu.dma_semaphore, #tpu.memory_space<semaphore_mem>>
        %dma_start3A_38 = tpu.memref_slice %arg3[%add3A_32] : memref<327680xi32, #tpu.memory_space<hbm>> -> memref<128xi32, #tpu.memory_space<hbm>>
        %dma_start3A_39 = tpu.memref_slice %arg3[%add3A_32] : memref<327680xi32, #tpu.memory_space<hbm>> -> memref<128xi32, #tpu.memory_space<hbm>>
        tpu.enqueue_dma source(%dma_start3A_39 : memref<128xi32, #tpu.memory_space<hbm>>) target(%arg7 : memref<128xi32, #tpu.memory_space<vmem>>) target_semaphore(%run_scoped3A : memref<!tpu.dma_semaphore, #tpu.memory_space<semaphore_mem>>)
        %dma_wait3A_40 = tpu.memref_slice %arg3[%add3A_32] : memref<327680xi32, #tpu.memory_space<hbm>> -> memref<128xi32, #tpu.memory_space<hbm>>
        %dma_wait3A_41 = tpu.memref_slice %arg3[%add3A_32] : memref<327680xi32, #tpu.memory_space<hbm>> -> memref<128xi32, #tpu.memory_space<hbm>>
        tpu.wait_dma2 semaphore(%run_scoped3A : memref<!tpu.dma_semaphore, #tpu.memory_space<semaphore_mem>>) src(%dma_wait3A_41 : memref<128xi32, #tpu.memory_space<hbm>>) dst(%arg7 : memref<128xi32, #tpu.memory_space<vmem>>)
        tpu.yield
      }) : () -> ()
      %dma_start3A = arith.constant 0 : i32
      %dma_start3A_33 = arith.constant 0 : i32
      %dma_start3A_34 = tpu.memref_slice %arg4[%dma_start3A, %dma_start3A_33] : memref<10240x128xf32, #tpu.memory_space<hbm>> -> memref<10240x128xf32, #tpu.memory_space<hbm>>
      tpu.enqueue_indirect_dma source(%dma_start3A_34 : memref<10240x128xf32, #tpu.memory_space<hbm>>) target(%arg8 : memref<128x128xf32, #tpu.memory_space<vmem>>) offsets(%arg6 : memref<128xi32, #tpu.memory_space<vmem>>) semaphore(%arg9 : memref<!tpu.dma_semaphore, #tpu.memory_space<semaphore_mem>>)
      %dma_wait3A = arith.constant 0 : i32
      %dma_wait3A_35 = arith.constant 0 : i32
      %dma_wait3A_36 = tpu.memref_slice %arg4[%dma_wait3A, %dma_wait3A_35] : memref<10240x128xf32, #tpu.memory_space<hbm>> -> memref<10240x128xf32, #tpu.memory_space<hbm>>
      tpu.wait_indirect_dma semaphore(%arg9 : memref<!tpu.dma_semaphore, #tpu.memory_space<semaphore_mem>>) src(%dma_wait3A_36 : memref<10240x128xf32, #tpu.memory_space<hbm>>) dst(%arg8 : memref<128x128xf32, #tpu.memory_space<vmem>>)
      "tpu.region"() ({
        %run_scoped3A = tpu.sem_alloc : memref<!tpu.dma_semaphore, #tpu.memory_space<semaphore_mem>>
        %dma_start3A_38 = arith.constant 0 : i32
        %dma_start3A_39 = arith.constant 0 : i32
        %dma_start3A_40 = tpu.memref_slice %arg10[%dma_start3A_38, %dma_start3A_39] : memref<10240x128xf32, #tpu.memory_space<vmem_shared>> -> memref<10240x128xf32, #tpu.memory_space<vmem_shared>>
        tpu.enqueue_indirect_dma source(%arg8 : memref<128x128xf32, #tpu.memory_space<vmem>>) target(%dma_start3A_40 : memref<10240x128xf32, #tpu.memory_space<vmem_shared>>) offsets(%arg7 : memref<128xi32, #tpu.memory_space<vmem>>) semaphore(%run_scoped3A : memref<!tpu.dma_semaphore, #tpu.memory_space<semaphore_mem>>) {add = true}
        %dma_wait3A_41 = arith.constant 0 : i32
        %dma_wait3A_42 = arith.constant 0 : i32
        %dma_wait3A_43 = tpu.memref_slice %arg10[%dma_wait3A_41, %dma_wait3A_42] : memref<10240x128xf32, #tpu.memory_space<vmem_shared>> -> memref<10240x128xf32, #tpu.memory_space<vmem_shared>>
        tpu.wait_indirect_dma semaphore(%run_scoped3A : memref<!tpu.dma_semaphore, #tpu.memory_space<semaphore_mem>>) src(%arg8 : memref<128x128xf32, #tpu.memory_space<vmem>>) dst(%dma_wait3A_43 : memref<10240x128xf32, #tpu.memory_space<vmem_shared>>)
        tpu.yield
      }) : () -> ()
      %scan3A_37 = arith.constant 0 : i32
      scf.yield %scan3A_37 : i32
    }
    %scan3A_22 = arith.constant 80 : i32
    %barrier3A_23 = arith.constant 0 : index
    tpu.barrier barrier_id(%barrier3A_23)
    %mul3A_24 = arith.constant 640 : i32
    %mul3A_25 = arith.muli %arg1, %mul3A_24 : i32
    %mul3A_26 = arith.constant 640 : i32
    %mul3A_27 = arith.muli %arg1, %mul3A_26 : i32
    "tpu.region"() ({
      %run_scoped3A = tpu.sem_alloc : memref<!tpu.dma_semaphore, #tpu.memory_space<semaphore_mem>>
      %dma_start3A = arith.constant 0 : i32
      %dma_start3A_28 = tpu.memref_slice %arg5[%arg0, %mul3A_27, %dma_start3A] : memref<2x10240x128xf32, #tpu.memory_space<hbm>> -> memref<1x640x128xf32, #tpu.memory_space<hbm>>
      %dma_start3A_29 = tpu.memref_squeeze %dma_start3A_28 : memref<1x640x128xf32, #tpu.memory_space<hbm>> -> memref<640x128xf32, #tpu.memory_space<hbm>>
      %dma_start3A_30 = arith.constant 0 : i32
      %dma_start3A_31 = tpu.memref_slice %arg10[%mul3A_25, %dma_start3A_30] : memref<10240x128xf32, #tpu.memory_space<vmem_shared>> -> memref<640x128xf32, #tpu.memory_space<vmem_shared>>
      tpu.enqueue_dma source(%dma_start3A_31 : memref<640x128xf32, #tpu.memory_space<vmem_shared>>) target(%dma_start3A_29 : memref<640x128xf32, #tpu.memory_space<hbm>>) target_semaphore(%run_scoped3A : memref<!tpu.dma_semaphore, #tpu.memory_space<semaphore_mem>>)
      %dma_wait3A = arith.constant 0 : i32
      %dma_wait3A_32 = tpu.memref_slice %arg5[%arg0, %mul3A_27, %dma_wait3A] : memref<2x10240x128xf32, #tpu.memory_space<hbm>> -> memref<1x640x128xf32, #tpu.memory_space<hbm>>
      %dma_wait3A_33 = tpu.memref_squeeze %dma_wait3A_32 : memref<1x640x128xf32, #tpu.memory_space<hbm>> -> memref<640x128xf32, #tpu.memory_space<hbm>>
      %dma_wait3A_34 = arith.constant 0 : i32
      %dma_wait3A_35 = tpu.memref_slice %arg10[%mul3A_25, %dma_wait3A_34] : memref<10240x128xf32, #tpu.memory_space<vmem_shared>> -> memref<640x128xf32, #tpu.memory_space<vmem_shared>>
      tpu.wait_dma2 semaphore(%run_scoped3A : memref<!tpu.dma_semaphore, #tpu.memory_space<semaphore_mem>>) src(%dma_wait3A_35 : memref<640x128xf32, #tpu.memory_space<vmem_shared>>) dst(%dma_wait3A_33 : memref<640x128xf32, #tpu.memory_space<hbm>>)
      tpu.yield
    }) : () -> ()
    return
  }
}

module attributes {stable_mosaic.version = 14 : i64} {
  func.func @_tc_prep_body(%arg0: i32, %arg1: memref<1024x64xf32, #tpu.memory_space<vmem>>, %arg2: memref<1024x128xf32, #tpu.memory_space<vmem>>, %arg3: memref<1024x128xf32, #tpu.memory_space<vmem>>, %arg4: memref<1024x2xf32, #tpu.memory_space<vmem>>) attributes {dimension_semantics = [#tpu.dimension_semantics<arbitrary>], iteration_bounds = array<i64: 10>, scalar_prefetch = 0 : i64, scratch_operands = 0 : i64, tpu.core_type = #tpu.core_type<tc>, window_params = [{transform_indices = @transform_0, window_bounds = array<i64: 1024, 64>}, {transform_indices = @transform_1, window_bounds = array<i64: 1024, 128>}, {transform_indices = @transform_2, window_bounds = array<i64: 1024, 128>}, {transform_indices = @transform_3, window_bounds = array<i64: 1024, 2>}]} {
    %get3A = arith.constant 0 : index
    %get3A_0 = arith.constant 0 : index
    %get3A_1 = vector.load %arg1[%get3A, %get3A_0] : memref<1024x64xf32, #tpu.memory_space<vmem>>, vector<1024x64xf32>
    %slice3A = vector.extract_strided_slice %get3A_1 {offsets = [0, 0], sizes = [1024, 32], strides = [1, 1]} : vector<1024x64xf32> to vector<1024x32xf32>
    %reduce_sum3A = arith.constant dense<0.000000e+00> : vector<1024xf32>
    %reduce_sum3A_2 = vector.multi_reduction <add>, %slice3A, %reduce_sum3A [1] : vector<1024x32xf32> to vector<1024xf32>
    %broadcast_in_dim3A = vector.shape_cast %reduce_sum3A_2 : vector<1024xf32> to vector<1024x1xf32>
    %slice3A_3 = vector.extract_strided_slice %get3A_1 {offsets = [0, 32], sizes = [1024, 32], strides = [1, 1]} : vector<1024x64xf32> to vector<1024x32xf32>
    %reduce_sum3A_4 = arith.constant dense<0.000000e+00> : vector<1024xf32>
    %reduce_sum3A_5 = vector.multi_reduction <add>, %slice3A_3, %reduce_sum3A_4 [1] : vector<1024x32xf32> to vector<1024xf32>
    %broadcast_in_dim3A_6 = vector.shape_cast %reduce_sum3A_5 : vector<1024xf32> to vector<1024x1xf32>
    %max3A = arith.constant 1.000000e+00 : f32
    %max3A_7 = vector.broadcast %max3A : f32 to vector<1024x1xf32>
    %max3A_8 = arith.maximumf %broadcast_in_dim3A, %max3A_7 : vector<1024x1xf32>
    %rsqrt3A = math.rsqrt %max3A_8 : vector<1024x1xf32>
    %max3A_9 = arith.constant 1.000000e+00 : f32
    %max3A_10 = vector.broadcast %max3A_9 : f32 to vector<1024x1xf32>
    %max3A_11 = arith.maximumf %broadcast_in_dim3A_6, %max3A_10 : vector<1024x1xf32>
    %rsqrt3A_12 = math.rsqrt %max3A_11 : vector<1024x1xf32>
    %get3A_13 = arith.constant 0 : index
    %get3A_14 = arith.constant 0 : index
    %get3A_15 = vector.load %arg2[%get3A_13, %get3A_14] : memref<1024x128xf32, #tpu.memory_space<vmem>>, vector<1024x128xf32>
    %mul3A = vector.broadcast %rsqrt3A : vector<1024x1xf32> to vector<1024x128xf32>
    %mul3A_16 = arith.mulf %get3A_15, %mul3A : vector<1024x128xf32>
    %swap3A = arith.constant 0 : index
    %swap3A_17 = arith.constant 0 : index
    %swap3A_18 = vector.load %arg3[%swap3A, %swap3A_17] : memref<1024x128xf32, #tpu.memory_space<vmem>>, vector<1024x128xf32>
    tpu.vector_store %arg3[%swap3A, %swap3A_17], %mul3A_16 {strides = array<i32>} : memref<1024x128xf32, #tpu.memory_space<vmem>>, vector<1024x128xf32>,
    %concatenate3A = tpu.concatenate %rsqrt3A, %rsqrt3A_12 in 1 : vector<1024x1xf32>, vector<1024x1xf32> -> vector<1024x2xf32>
    %swap3A_19 = arith.constant 0 : index
    %swap3A_20 = arith.constant 0 : index
    %swap3A_21 = vector.load %arg4[%swap3A_19, %swap3A_20] : memref<1024x2xf32, #tpu.memory_space<vmem>>, vector<1024x2xf32>
    tpu.vector_store %arg4[%swap3A_19, %swap3A_20], %concatenate3A {strides = array<i32>} : memref<1024x2xf32, #tpu.memory_space<vmem>>, vector<1024x2xf32>,
    return
  }
  func.func @transform_0(%arg0: i32) -> (i32, i32) {
    %c0_i32 = arith.constant 0 : i32
    %c0_i32_0 = arith.constant 0 : i32
    return %arg0, %c0_i32 : i32, i32
  }
  func.func @transform_1(%arg0: i32) -> (i32, i32) {
    %c0_i32 = arith.constant 0 : i32
    %c0_i32_0 = arith.constant 0 : i32
    return %arg0, %c0_i32 : i32, i32
  }
  func.func @transform_2(%arg0: i32) -> (i32, i32) {
    %c0_i32 = arith.constant 0 : i32
    %c0_i32_0 = arith.constant 0 : i32
    return %arg0, %c0_i32 : i32, i32
  }
  func.func @transform_3(%arg0: i32) -> (i32, i32) {
    %c0_i32 = arith.constant 0 : i32
    %c0_i32_0 = arith.constant 0 : i32
    return %arg0, %c0_i32 : i32, i32
  }
}

module attributes {stable_mosaic.version = 14 : i64} {
  func.func @_tc_mid_body(%arg0: i32, %arg1: memref<2x1024x128xf32, #tpu.memory_space<vmem>>, %arg2: memref<1024x2xf32, #tpu.memory_space<vmem>>, %arg3: memref<128x128xf32, #tpu.memory_space<vmem>>, %arg4: memref<1x128xf32, #tpu.memory_space<vmem>>, %arg5: memref<1024x128xf32, #tpu.memory_space<vmem>>, %arg6: memref<1024x128xf32, #tpu.memory_space<vmem>>, %arg7: memref<1024x128xf32, #tpu.memory_space<vmem>>) attributes {dimension_semantics = [#tpu.dimension_semantics<arbitrary>], iteration_bounds = array<i64: 10>, scalar_prefetch = 0 : i64, scratch_operands = 0 : i64, tpu.core_type = #tpu.core_type<tc>, window_params = [{transform_indices = @transform_0, window_bounds = array<i64: 2, 1024, 128>}, {transform_indices = @transform_1, window_bounds = array<i64: 1024, 2>}, {pipeline_mode = #tpu.pipeline_mode<synchronous>, transform_indices = @transform_2, window_bounds = array<i64: 128, 128>}, {pipeline_mode = #tpu.pipeline_mode<synchronous>, transform_indices = @transform_3, window_bounds = array<i64: 1, 128>}, {transform_indices = @transform_4, window_bounds = array<i64: 1024, 128>}, {transform_indices = @transform_5, window_bounds = array<i64: 1024, 128>}, {transform_indices = @transform_6, window_bounds = array<i64: 1024, 128>}]} {
    %get3A = arith.constant 0 : index
    %get3A_0 = arith.constant 0 : index
    %get3A_1 = arith.constant 0 : index
    %get3A_2 = vector.load %arg1[%get3A, %get3A_0, %get3A_1] : memref<2x1024x128xf32, #tpu.memory_space<vmem>>, vector<1x1024x128xf32>
    %get3A_3 = vector.shape_cast %get3A_2 : vector<1x1024x128xf32> to vector<1024x128xf32>
    %get3A_4 = arith.constant 1 : index
    %get3A_5 = arith.constant 0 : index
    %get3A_6 = arith.constant 0 : index
    %get3A_7 = vector.load %arg1[%get3A_4, %get3A_5, %get3A_6] : memref<2x1024x128xf32, #tpu.memory_space<vmem>>, vector<1x1024x128xf32>
    %get3A_8 = vector.shape_cast %get3A_7 : vector<1x1024x128xf32> to vector<1024x128xf32>
    %add3A = arith.addf %get3A_3, %get3A_8 : vector<1024x128xf32>
    %get3A_9 = arith.constant 0 : index
    %get3A_10 = arith.constant 0 : index
    %get3A_11 = vector.load %arg3[%get3A_9, %get3A_10] : memref<128x128xf32, #tpu.memory_space<vmem>>, vector<128x128xf32>
    %dot_general3A = arith.constant dense<0.000000e+00> : vector<1024x128xf32>
    %dot_general3A_12 = tpu.matmul %add3A, %get3A_11, %dot_general3A {dimension_numbers = #tpu.dot_dimension_numbers<[1], [0], [0], [1], [0, 0, 1, 1], [], []>, transpose_lhs_hint = false} : vector<1024x128xf32>, vector<128x128xf32>, vector<1024x128xf32> -> vector<1024x128xf32>
    %get3A_13 = arith.constant 0 : index
    %get3A_14 = arith.constant 0 : index
    %get3A_15 = vector.load %arg2[%get3A_13, %get3A_14] : memref<1024x2xf32, #tpu.memory_space<vmem>>, vector<1024x1xf32>
    %get3A_16 = arith.constant 0 : index
    %get3A_17 = arith.constant 1 : index
    %get3A_18 = vector.load %arg2[%get3A_16, %get3A_17] : memref<1024x2xf32, #tpu.memory_space<vmem>>, vector<1024x1xf32>
    %mul3A = vector.broadcast %get3A_18 : vector<1024x1xf32> to vector<1024x128xf32>
    %mul3A_19 = arith.mulf %dot_general3A_12, %mul3A : vector<1024x128xf32>
    %get3A_20 = arith.constant 0 : index
    %get3A_21 = arith.constant 0 : index
    %get3A_22 = vector.load %arg4[%get3A_20, %get3A_21] : memref<1x128xf32, #tpu.memory_space<vmem>>, vector<1x128xf32>
    %add3A_23 = vector.broadcast %get3A_22 : vector<1x128xf32> to vector<1024x128xf32>
    %add3A_24 = arith.addf %mul3A_19, %add3A_23 : vector<1024x128xf32>
    %max3A = arith.constant 0.000000e+00 : f32
    %max3A_25 = vector.broadcast %max3A : f32 to vector<1024x128xf32>
    %max3A_26 = arith.maximumf %add3A_24, %max3A_25 : vector<1024x128xf32>
    %swap3A = arith.constant 0 : index
    %swap3A_27 = arith.constant 0 : index
    %swap3A_28 = vector.load %arg5[%swap3A, %swap3A_27] : memref<1024x128xf32, #tpu.memory_space<vmem>>, vector<1024x128xf32>
    tpu.vector_store %arg5[%swap3A, %swap3A_27], %max3A_26 {strides = array<i32>} : memref<1024x128xf32, #tpu.memory_space<vmem>>, vector<1024x128xf32>,
    %mul3A_29 = vector.broadcast %get3A_15 : vector<1024x1xf32> to vector<1024x128xf32>
    %mul3A_30 = arith.mulf %max3A_26, %mul3A_29 : vector<1024x128xf32>
    %swap3A_31 = arith.constant 0 : index
    %swap3A_32 = arith.constant 0 : index
    %swap3A_33 = vector.load %arg6[%swap3A_31, %swap3A_32] : memref<1024x128xf32, #tpu.memory_space<vmem>>, vector<1024x128xf32>
    tpu.vector_store %arg6[%swap3A_31, %swap3A_32], %mul3A_30 {strides = array<i32>} : memref<1024x128xf32, #tpu.memory_space<vmem>>, vector<1024x128xf32>,
    %swap3A_34 = arith.constant 0 : index
    %swap3A_35 = arith.constant 0 : index
    %swap3A_36 = vector.load %arg7[%swap3A_34, %swap3A_35] : memref<1024x128xf32, #tpu.memory_space<vmem>>, vector<1024x128xf32>
    tpu.vector_store %arg7[%swap3A_34, %swap3A_35], %add3A {strides = array<i32>} : memref<1024x128xf32, #tpu.memory_space<vmem>>, vector<1024x128xf32>,
    return
  }
  func.func @transform_0(%arg0: i32) -> (i32, i32, i32) {
    %c0_i32 = arith.constant 0 : i32
    %c0_i32_0 = arith.constant 0 : i32
    %c0_i32_1 = arith.constant 0 : i32
    return %c0_i32, %arg0, %c0_i32_0 : i32, i32, i32
  }
  func.func @transform_1(%arg0: i32) -> (i32, i32) {
    %c0_i32 = arith.constant 0 : i32
    %c0_i32_0 = arith.constant 0 : i32
    return %arg0, %c0_i32 : i32, i32
  }
  func.func @transform_2(%arg0: i32) -> (i32, i32) {
    %c0_i32 = arith.constant 0 : i32
    %c0_i32_0 = arith.constant 0 : i32
    %c0_i32_1 = arith.constant 0 : i32
    return %c0_i32, %c0_i32_0 : i32, i32
  }
  func.func @transform_3(%arg0: i32) -> (i32, i32) {
    %c0_i32 = arith.constant 0 : i32
    %c0_i32_0 = arith.constant 0 : i32
    %c0_i32_1 = arith.constant 0 : i32
    return %c0_i32, %c0_i32_0 : i32, i32
  }
  func.func @transform_4(%arg0: i32) -> (i32, i32) {
    %c0_i32 = arith.constant 0 : i32
    %c0_i32_0 = arith.constant 0 : i32
    return %arg0, %c0_i32 : i32, i32
  }
  func.func @transform_5(%arg0: i32) -> (i32, i32) {
    %c0_i32 = arith.constant 0 : i32
    %c0_i32_0 = arith.constant 0 : i32
    return %arg0, %c0_i32 : i32, i32
  }
  func.func @transform_6(%arg0: i32) -> (i32, i32) {
    %c0_i32 = arith.constant 0 : i32
    %c0_i32_0 = arith.constant 0 : i32
    return %arg0, %c0_i32 : i32, i32
  }
}

module attributes {stable_mosaic.version = 14 : i64} {
  func.func @_tc_out_body(%arg0: i32, %arg1: memref<2x1024x128xf32, #tpu.memory_space<vmem>>, %arg2: memref<1024x128xf32, #tpu.memory_space<vmem>>, %arg3: memref<1024x128xf32, #tpu.memory_space<vmem>>, %arg4: memref<1024x2xf32, #tpu.memory_space<vmem>>, %arg5: memref<1024x1xi32, #tpu.memory_space<vmem>>, %arg6: memref<128x128xf32, #tpu.memory_space<vmem>>, %arg7: memref<128x128xf32, #tpu.memory_space<vmem>>, %arg8: memref<1x128xf32, #tpu.memory_space<vmem>>, %arg9: memref<128x256xf32, #tpu.memory_space<vmem>>, %arg10: memref<128x256xf32, #tpu.memory_space<vmem>>, %arg11: memref<128x1xf32, #tpu.memory_space<vmem>>) attributes {dimension_semantics = [#tpu.dimension_semantics<arbitrary>], iteration_bounds = array<i64: 10>, scalar_prefetch = 0 : i64, scratch_operands = 2 : i64, tpu.core_type = #tpu.core_type<tc>, window_params = [{transform_indices = @transform_0, window_bounds = array<i64: 2, 1024, 128>}, {transform_indices = @transform_1, window_bounds = array<i64: 1024, 128>}, {transform_indices = @transform_2, window_bounds = array<i64: 1024, 128>}, {transform_indices = @transform_3, window_bounds = array<i64: 1024, 2>}, {transform_indices = @transform_4, window_bounds = array<i64: 1024, 1>}, {pipeline_mode = #tpu.pipeline_mode<synchronous>, transform_indices = @transform_5, window_bounds = array<i64: 128, 128>}, {pipeline_mode = #tpu.pipeline_mode<synchronous>, transform_indices = @transform_6, window_bounds = array<i64: 128, 128>}, {pipeline_mode = #tpu.pipeline_mode<synchronous>, transform_indices = @transform_7, window_bounds = array<i64: 1, 128>}, {pipeline_mode = #tpu.pipeline_mode<synchronous>, transform_indices = @transform_8, window_bounds = array<i64: 128, 256>}]} {
    %get3A = arith.constant 0 : index
    %get3A_0 = arith.constant 0 : index
    %get3A_1 = arith.constant 0 : index
    %get3A_2 = vector.load %arg1[%get3A, %get3A_0, %get3A_1] : memref<2x1024x128xf32, #tpu.memory_space<vmem>>, vector<1x1024x128xf32>
    %get3A_3 = vector.shape_cast %get3A_2 : vector<1x1024x128xf32> to vector<1024x128xf32>
    %get3A_4 = arith.constant 1 : index
    %get3A_5 = arith.constant 0 : index
    %get3A_6 = arith.constant 0 : index
    %get3A_7 = vector.load %arg1[%get3A_4, %get3A_5, %get3A_6] : memref<2x1024x128xf32, #tpu.memory_space<vmem>>, vector<1x1024x128xf32>
    %get3A_8 = vector.shape_cast %get3A_7 : vector<1x1024x128xf32> to vector<1024x128xf32>
    %add3A = arith.addf %get3A_3, %get3A_8 : vector<1024x128xf32>
    %get3A_9 = arith.constant 0 : index
    %get3A_10 = arith.constant 0 : index
    %get3A_11 = vector.load %arg6[%get3A_9, %get3A_10] : memref<128x128xf32, #tpu.memory_space<vmem>>, vector<128x128xf32>
    %dot_general3A = arith.constant dense<0.000000e+00> : vector<1024x128xf32>
    %dot_general3A_12 = tpu.matmul %add3A, %get3A_11, %dot_general3A {dimension_numbers = #tpu.dot_dimension_numbers<[1], [0], [0], [1], [0, 0, 1, 1], [], []>, transpose_lhs_hint = false} : vector<1024x128xf32>, vector<128x128xf32>, vector<1024x128xf32> -> vector<1024x128xf32>
    %get3A_13 = arith.constant 0 : index
    %get3A_14 = arith.constant 0 : index
    %get3A_15 = vector.load %arg2[%get3A_13, %get3A_14] : memref<1024x128xf32, #tpu.memory_space<vmem>>, vector<1024x128xf32>
    %get3A_16 = arith.constant 0 : index
    %get3A_17 = arith.constant 0 : index
    %get3A_18 = vector.load %arg7[%get3A_16, %get3A_17] : memref<128x128xf32, #tpu.memory_space<vmem>>, vector<128x128xf32>
    %dot_general3A_19 = arith.constant dense<0.000000e+00> : vector<1024x128xf32>
    %dot_general3A_20 = tpu.matmul %get3A_15, %get3A_18, %dot_general3A_19 {dimension_numbers = #tpu.dot_dimension_numbers<[1], [0], [0], [1], [0, 0, 1, 1], [], []>, transpose_lhs_hint = false} : vector<1024x128xf32>, vector<128x128xf32>, vector<1024x128xf32> -> vector<1024x128xf32>
    %add3A_21 = arith.addf %dot_general3A_12, %dot_general3A_20 : vector<1024x128xf32>
    %get3A_22 = arith.constant 0 : index
    %get3A_23 = arith.constant 1 : index
    %get3A_24 = vector.load %arg4[%get3A_22, %get3A_23] : memref<1024x2xf32, #tpu.memory_space<vmem>>, vector<1024x1xf32>
    %mul3A = vector.broadcast %get3A_24 : vector<1024x1xf32> to vector<1024x128xf32>
    %mul3A_25 = arith.mulf %add3A_21, %mul3A : vector<1024x128xf32>
    %get3A_26 = arith.constant 0 : index
    %get3A_27 = arith.constant 0 : index
    %get3A_28 = vector.load %arg8[%get3A_26, %get3A_27] : memref<1x128xf32, #tpu.memory_space<vmem>>, vector<1x128xf32>
    %add3A_29 = vector.broadcast %get3A_28 : vector<1x128xf32> to vector<1024x128xf32>
    %add3A_30 = arith.addf %mul3A_25, %add3A_29 : vector<1024x128xf32>
    %max3A = arith.constant 0.000000e+00 : f32
    %max3A_31 = vector.broadcast %max3A : f32 to vector<1024x128xf32>
    %max3A_32 = arith.maximumf %add3A_30, %max3A_31 : vector<1024x128xf32>
    %get3A_33 = arith.constant 0 : index
    %get3A_34 = arith.constant 0 : index
    %get3A_35 = vector.load %arg3[%get3A_33, %get3A_34] : memref<1024x128xf32, #tpu.memory_space<vmem>>, vector<1024x128xf32>
    %concatenate3A = tpu.concatenate %get3A_35, %max3A_32 in 1 : vector<1024x128xf32>, vector<1024x128xf32> -> vector<1024x256xf32>
    %iota3A = tpu.iota {dimensions = array<i32: 1>} : vector<1024x128xi32>
    %get3A_36 = arith.constant 0 : index
    %get3A_37 = arith.constant 0 : index
    %get3A_38 = vector.load %arg5[%get3A_36, %get3A_37] : memref<1024x1xi32, #tpu.memory_space<vmem>>, vector<1024x1xi32>
    %eq3A = vector.broadcast %get3A_38 : vector<1024x1xi32> to vector<1024x128xi32>
    %eq3A_39 = arith.cmpi eq, %eq3A, %iota3A : vector<1024x128xi32>
    %convert_element_type3A = arith.extui %eq3A_39 : vector<1024x128xi1> to vector<1024x128xi32>
    %convert_element_type3A_40 = arith.sitofp %convert_element_type3A : vector<1024x128xi32> to vector<1024x128xf32>
    %dot_general3A_41 = arith.constant dense<0.000000e+00> : vector<128x256xf32>
    %dot_general3A_42 = tpu.matmul %convert_element_type3A_40, %concatenate3A, %dot_general3A_41 {dimension_numbers = #tpu.dot_dimension_numbers<[0], [0], [1], [1], [0, 1, 1, 1], [], []>, transpose_lhs_hint = false} : vector<1024x128xf32>, vector<1024x256xf32>, vector<128x256xf32> -> vector<128x256xf32>
    %broadcast_in_dim3A = arith.constant 1.000000e+00 : f32
    %broadcast_in_dim3A_43 = vector.broadcast %broadcast_in_dim3A : f32 to vector<1024x1xf32>
    %dot_general3A_44 = arith.constant dense<0.000000e+00> : vector<128x1xf32>
    %dot_general3A_45 = tpu.matmul %convert_element_type3A_40, %broadcast_in_dim3A_43, %dot_general3A_44 {dimension_numbers = #tpu.dot_dimension_numbers<[0], [0], [1], [1], [0, 1, 1, 1], [], []>, transpose_lhs_hint = false} : vector<1024x128xf32>, vector<1024x1xf32>, vector<128x1xf32> -> vector<128x1xf32>
    %eq3A_46 = arith.constant 0 : i32
    %eq3A_47 = arith.cmpi eq, %arg0, %eq3A_46 : i32
    %convert_element_type3A_48 = arith.extui %eq3A_47 : i1 to i32
    %cond3A = arith.constant 0 : i32
    %cond3A_49 = arith.cmpi ne, %convert_element_type3A_48, %cond3A : i32
    scf.if %cond3A_49 {
      %broadcast_in_dim3A_68 = arith.constant 0.000000e+00 : f32
      %broadcast_in_dim3A_69 = vector.broadcast %broadcast_in_dim3A_68 : f32 to vector<128x256xf32>
      %swap3A_70 = arith.constant 0 : index
      %swap3A_71 = arith.constant 0 : index
      %swap3A_72 = vector.load %arg10[%swap3A_70, %swap3A_71] : memref<128x256xf32, #tpu.memory_space<vmem>>, vector<128x256xf32>
      tpu.vector_store %arg10[%swap3A_70, %swap3A_71], %broadcast_in_dim3A_69 {strides = array<i32>} : memref<128x256xf32, #tpu.memory_space<vmem>>, vector<128x256xf32>,
      %broadcast_in_dim3A_73 = arith.constant 0.000000e+00 : f32
      %broadcast_in_dim3A_74 = vector.broadcast %broadcast_in_dim3A_73 : f32 to vector<128x1xf32>
      %swap3A_75 = arith.constant 0 : index
      %swap3A_76 = arith.constant 0 : index
      %swap3A_77 = vector.load %arg11[%swap3A_75, %swap3A_76] : memref<128x1xf32, #tpu.memory_space<vmem>>, vector<128x1xf32>
      tpu.vector_store %arg11[%swap3A_75, %swap3A_76], %broadcast_in_dim3A_74 {strides = array<i32>} : memref<128x1xf32, #tpu.memory_space<vmem>>, vector<128x1xf32>,
    } else {
    }
    %get3A_50 = arith.constant 0 : index
    %get3A_51 = arith.constant 0 : index
    %get3A_52 = vector.load %arg10[%get3A_50, %get3A_51] : memref<128x256xf32, #tpu.memory_space<vmem>>, vector<128x256xf32>
    %add3A_53 = arith.addf %get3A_52, %dot_general3A_42 : vector<128x256xf32>
    %swap3A = arith.constant 0 : index
    %swap3A_54 = arith.constant 0 : index
    %swap3A_55 = vector.load %arg10[%swap3A, %swap3A_54] : memref<128x256xf32, #tpu.memory_space<vmem>>, vector<128x256xf32>
    tpu.vector_store %arg10[%swap3A, %swap3A_54], %add3A_53 {strides = array<i32>} : memref<128x256xf32, #tpu.memory_space<vmem>>, vector<128x256xf32>,
    %get3A_56 = arith.constant 0 : index
    %get3A_57 = arith.constant 0 : index
    %get3A_58 = vector.load %arg11[%get3A_56, %get3A_57] : memref<128x1xf32, #tpu.memory_space<vmem>>, vector<128x1xf32>
    %add3A_59 = arith.addf %get3A_58, %dot_general3A_45 : vector<128x1xf32>
    %swap3A_60 = arith.constant 0 : index
    %swap3A_61 = arith.constant 0 : index
    %swap3A_62 = vector.load %arg11[%swap3A_60, %swap3A_61] : memref<128x1xf32, #tpu.memory_space<vmem>>, vector<128x1xf32>
    tpu.vector_store %arg11[%swap3A_60, %swap3A_61], %add3A_59 {strides = array<i32>} : memref<128x1xf32, #tpu.memory_space<vmem>>, vector<128x1xf32>,
    %eq3A_63 = arith.constant 9 : i32
    %eq3A_64 = arith.cmpi eq, %arg0, %eq3A_63 : i32
    %convert_element_type3A_65 = arith.extui %eq3A_64 : i1 to i32
    %cond3A_66 = arith.constant 0 : i32
    %cond3A_67 = arith.cmpi ne, %convert_element_type3A_65, %cond3A_66 : i32
    scf.if %cond3A_67 {
      %get3A_68 = arith.constant 0 : index
      %get3A_69 = arith.constant 0 : index
      %get3A_70 = vector.load %arg10[%get3A_68, %get3A_69] : memref<128x256xf32, #tpu.memory_space<vmem>>, vector<128x256xf32>
      %get3A_71 = arith.constant 0 : index
      %get3A_72 = arith.constant 0 : index
      %get3A_73 = vector.load %arg11[%get3A_71, %get3A_72] : memref<128x1xf32, #tpu.memory_space<vmem>>, vector<128x1xf32>
      %max3A_74 = arith.constant 1.000000e+00 : f32
      %max3A_75 = vector.broadcast %max3A_74 : f32 to vector<128x1xf32>
      %max3A_76 = arith.maximumf %get3A_73, %max3A_75 : vector<128x1xf32>
      %div3A = vector.broadcast %max3A_76 : vector<128x1xf32> to vector<128x256xf32>
      %div3A_77 = arith.divf %get3A_70, %div3A : vector<128x256xf32>
      %swap3A_78 = arith.constant 0 : index
      %swap3A_79 = arith.constant 0 : index
      %swap3A_80 = vector.load %arg9[%swap3A_78, %swap3A_79] : memref<128x256xf32, #tpu.memory_space<vmem>>, vector<128x256xf32>
      tpu.vector_store %arg9[%swap3A_78, %swap3A_79], %div3A_77 {strides = array<i32>} : memref<128x256xf32, #tpu.memory_space<vmem>>, vector<128x256xf32>,
    } else {
    }
    return
  }
  func.func @transform_0(%arg0: i32) -> (i32, i32, i32) {
    %c0_i32 = arith.constant 0 : i32
    %c0_i32_0 = arith.constant 0 : i32
    %c0_i32_1 = arith.constant 0 : i32
    return %c0_i32, %arg0, %c0_i32_0 : i32, i32, i32
  }
  func.func @transform_1(%arg0: i32) -> (i32, i32) {
    %c0_i32 = arith.constant 0 : i32
    %c0_i32_0 = arith.constant 0 : i32
    return %arg0, %c0_i32 : i32, i32
  }
  func.func @transform_2(%arg0: i32) -> (i32, i32) {
    %c0_i32 = arith.constant 0 : i32
    %c0_i32_0 = arith.constant 0 : i32
    return %arg0, %c0_i32 : i32, i32
  }
  func.func @transform_3(%arg0: i32) -> (i32, i32) {
    %c0_i32 = arith.constant 0 : i32
    %c0_i32_0 = arith.constant 0 : i32
    return %arg0, %c0_i32 : i32, i32
  }
  func.func @transform_4(%arg0: i32) -> (i32, i32) {
    %c0_i32 = arith.constant 0 : i32
    %c0_i32_0 = arith.constant 0 : i32
    return %arg0, %c0_i32 : i32, i32
  }
  func.func @transform_5(%arg0: i32) -> (i32, i32) {
    %c0_i32 = arith.constant 0 : i32
    %c0_i32_0 = arith.constant 0 : i32
    %c0_i32_1 = arith.constant 0 : i32
    return %c0_i32, %c0_i32_0 : i32, i32
  }
  func.func @transform_6(%arg0: i32) -> (i32, i32) {
    %c0_i32 = arith.constant 0 : i32
    %c0_i32_0 = arith.constant 0 : i32
    %c0_i32_1 = arith.constant 0 : i32
    return %c0_i32, %c0_i32_0 : i32, i32
  }
  func.func @transform_7(%arg0: i32) -> (i32, i32) {
    %c0_i32 = arith.constant 0 : i32
    %c0_i32_0 = arith.constant 0 : i32
    %c0_i32_1 = arith.constant 0 : i32
    return %c0_i32, %c0_i32_0 : i32, i32
  }
  func.func @transform_8(%arg0: i32) -> (i32, i32) {
    %c0_i32 = arith.constant 0 : i32
    %c0_i32_0 = arith.constant 0 : i32
    %c0_i32_1 = arith.constant 0 : i32
    return %c0_i32, %c0_i32_0 : i32, i32
  }
}

</mosaic_0001>

<sc_bundles>
// kernel: kernel.11.cloned.1.call-start
scs
__scs_entry_jumppad:
0x0: {  	(pc) =	sbr.rel $0x88, $3  }
0x1: {  	(tag) =	ssettag $0x0;
	lr =	simm.s32 $0x1  }
0x2: {  	[smem:$0x3F9A] =	sst lr;
	_ =	strace $0xD0000000  }
0x3: {  	_ = 	snop  }
0x4: {  	_ = 	snop  }
0x5: {  	_ = 	snop  }
0x6: {  	_ = 	snop  }
0x7: {  	_ = 	snop  }
__scs_overlays_trampoline_lowered:
0x8: {  	[smem:$0x3FA9] =	sst s0  }
0x9: {  	[smem:$0x3FAA] =	sst s1  }
0xa: {  	[smem:$0x3FAB] =	sst s2  }
0xb: {  	[smem:$0x3FAC] =	sst s3  }
0xc: {  	[smem:$0x3FAD] =	sst s4  }
0xd: {  	[smem:$0x3FAE] =	sst s5  }
0xe: {  	[smem:$0x3FAF] =	sst s6  }
0xf: {  	[smem:$0x3FB0] =	sst s7  }
0x10: {  	[smem:$0x3FB1] =	sst s8  }
0x11: {  	[smem:$0x3FB2] =	sst s9;
	s0 =	simm.s32 @!p0 $0x0  }
0x12: {  	s1 =	sld [smem:$0x3F98];
	s0 =	simm.s32 @p0 $0x1  }
0x13: {  	[smem:$0x3FB3] =	sst s0;
	s0 =	simm.s32 @!p1 $0x0  }
0x14: {  	s2 =	sld [smem:$0x3F97];
	s0 =	simm.s32 @p1 $0x1  }
0x15: {  	[smem:$0x3FB4] =	sst s0;
	s0 =	simm.s32 @!p2 $0x0  }
0x16: {  	s3 =	sld [smem:$0x3FDB];
	s0 =	simm.s32 @p2 $0x1  }
0x17: {  	s4 =	simm.s32 $0x1BF5;
	[smem:$0x3FB6] =	sst s0  }
0x18: {  	s0 =	sld [smem:$0x3F99];
	_ =	swait.ge [sflag:s4], $0x0  }
0x19: {  	s7 =	sld [smem:$0x3F9A]  }
0x1a: {  	s8 =	sadd.s32 $0xFFFFE003, lr  }
0x1b: {  	s9 =	sadd.s32 $0xFFFFFEF7, lr;
	s5 =	simm.s32 $0xFFFFFFFF;
	p2 =	slt.u32 s8, $0xFFFFF086  }
0x1c: {  	p1 =	slt.u32 s9, $0xF7A;
	s5 =	simm.s32 @!p2 $0x0  }
0x1d: {  	s5 =	simm.s32 @p1 $0x1;
	p0 =	seq.s32 s7, s2  }
0x1e: {  	s7 =	smul.u32 @!p0 $0xF7A, s2;
	p2 =	seq.s32 @!p0 s5, $0x0  }
0x1f: {  	s9 =	smul.u32 $0xF7A, s1;
	s8 =	simm.s32 @!p0 $0x1BF5;
	p2 =	por !p2, p0  }
0x20: {  	[sflag:s8] =	ssyncset.s32 @!p0 $0xFFFFF086;
	s6 =	sadd.s32 @!p0 s3, s7;
	s7 =	simm.s32 @!p0 $0x108  }
0x21: {  	s3 =	sadd.s32 s3, s9;
	s6 =	sadd.s32 @!p0 $0x88, s6;
	s7 =	simm.s32 @p2 $0x1082  }
0x22: {  	[simem:s7], [sflag:s8] =	dma.local @!p0 [hbm:s6], $0xF7A  }
0x23: {  	s9 =	sor.u32 $0xD0000000, s2;
	s6 =	simm.s32 $0x108;
	_ =	swait.ge @!p0 [sflag:s8], $0x0  }
0x24: {  	s3 =	sadd.s32 $0x88, s3;
	s6 =	simm.s32 @!p1 $0x1082;
	[sflag:s4] =	ssyncset.s32 $0xFFFFF086  }
0x25: {  	[simem:s6], [sflag:s4] =	dma.local [hbm:s3], $0xF7A  }
0x26: {  	[smem:$0x3F9A] =	sst s1;
	(tag) =	ssettag s2;
	_ =	strace s9  }
0x27: {  	s1 =	sld [smem:$0x3FAA]  }
0x28: {  	s2 =	sld [smem:$0x3FAB]  }
0x29: {  	s4 =	sld [smem:$0x3FAD]  }
0x2a: {  	p0 =	seq.s32 s5, $0x0;
	s5 =	sld [smem:$0x3FAE]  }
0x2b: {  	s6 =	sld [smem:$0x3FAF]  }
0x2c: {  	s7 =	sld [smem:$0x3FB0]  }
0x2d: {  	s3 =	simm.s32 $0x108;
	s8 =	sld [smem:$0x3FB1]  }
0x2e: {  	s3 =	simm.s32 @!p0 $0x1082;
	s9 =	sld [smem:$0x3FB2]  }
0x2f: {  	lr =	sadd.s32 s0, s3;
	s0 =	sld [smem:$0x3FA9]  }
0x30: {  	s3 =	sld [smem:$0x3FAC]  }
0x31: {  	[smem:$0x3FB5] =	sst s10  }
0x32: {  	s10 =	sld [smem:$0x3FB3];
	_ =	sdelay $0x3  }
0x33: {  	p0 =	seq.s32 s10, $0x1;
	s10 =	sld [smem:$0x3FB5];
	_ =	sdelay $0x3  }
0x34: {  	[smem:$0x3FB5] =	sst s10  }
0x35: {  	s10 =	sld [smem:$0x3FB4];
	_ =	sdelay $0x3  }
0x36: {  	p1 =	seq.s32 s10, $0x1;
	s10 =	sld [smem:$0x3FB5];
	_ =	sdelay $0x3  }
0x37: {  	[smem:$0x3FB5] =	sst s10  }
0x38: {  	s10 =	sld [smem:$0x3FB6]  }
0x39: {  	_ = 	snop;
	(pc) =	sbr.ind lr, $3  }
0x3a: {  	_ = 	snop  }
0x3b: {  	_ = 	snop  }
0x3c: {  	p2 =	seq.s32 s10, $0x1;
	s10 =	sld [smem:$0x3FB5]  }
0x3d: {  	_ =	shalt  }
0x3e: {  	_ =	shalt  }
0x3f: {  	_ =	shalt  }
0x40: {  	_ =	shalt  }
0x41: {  	_ =	shalt  }
0x42: {  	_ =	shalt  }
0x43: {  	_ =	shalt  }
0x44: {  	_ =	shalt  }
0x45: {  	_ =	shalt  }
0x46: {  	_ =	shalt  }
0x47: {  	_ =	shalt  }
0x48: {  	_ =	shalt  }
0x49: {  	_ =	shalt  }
0x4a: {  	_ =	shalt  }
0x4b: {  	_ =	shalt  }
0x4c: {  	_ =	shalt  }
0x4d: {  	_ =	shalt  }
0x4e: {  	_ =	shalt  }
0x4f: {  	_ =	shalt  }
0x50: {  	_ =	shalt  }
0x51: {  	_ =	shalt  }
0x52: {  	_ =	shalt  }
0x53: {  	_ =	shalt  }
0x54: {  	_ =	shalt  }
0x55: {  	_ =	shalt  }
0x56: {  	_ =	shalt  }
0x57: {  	_ =	shalt  }
0x58: {  	_ =	shalt  }
0x59: {  	_ =	shalt  }
0x5a: {  	_ =	shalt  }
0x5b: {  	_ =	shalt  }
0x5c: {  	_ =	shalt  }
0x5d: {  	_ =	shalt  }
0x5e: {  	_ =	shalt  }
0x5f: {  	_ =	shalt  }
0x60: {  	_ =	shalt  }
0x61: {  	_ =	shalt  }
0x62: {  	_ =	shalt  }
0x63: {  	_ =	shalt  }
0x64: {  	_ =	shalt  }
0x65: {  	_ =	shalt  }
0x66: {  	_ =	shalt  }
0x67: {  	_ =	shalt  }
0x68: {  	_ =	shalt  }
0x69: {  	_ =	shalt  }
0x6a: {  	_ =	shalt  }
0x6b: {  	_ =	shalt  }
0x6c: {  	_ =	shalt  }
0x6d: {  	_ =	shalt  }
0x6e: {  	_ =	shalt  }
0x6f: {  	_ =	shalt  }
0x70: {  	_ =	shalt  }
0x71: {  	_ =	shalt  }
0x72: {  	_ =	shalt  }
0x73: {  	_ =	shalt  }
0x74: {  	_ =	shalt  }
0x75: {  	_ =	shalt  }
0x76: {  	_ =	shalt  }
0x77: {  	_ =	shalt  }
0x78: {  	_ =	shalt  }
0x79: {  	_ =	shalt  }
0x7a: {  	_ =	shalt  }
0x7b: {  	_ =	shalt  }
0x7c: {  	_ =	shalt  }
0x7d: {  	_ =	shalt  }
0x7e: {  	_ =	shalt  }
0x7f: {  	_ =	shalt  }
0x80: {  	_ =	shalt  }
0x81: {  	_ =	shalt  }
0x82: {  	_ =	shalt  }
0x83: {  	_ =	shalt  }
0x84: {  	_ =	shalt  }
0x85: {  	_ =	shalt  }
0x86: {  	_ =	shalt  }
0x87: {  	_ =	shalt  }
.Lfunc_end0:
.L_simem_size_0:
called_computation.1_lowered:
.L_overlay_start_0:
0x88: {  	s2 =	sld [smem:$0x3FD9]  }
0x89: {  	s3 =	sld [smem:$0x3FFE];
	_ =	sdelay $0x1  }
0x8a: {  	s1 =	srdreg.scid  }
0x8b: {  	s0 =	sand.u32 $0x1, s1  }
0x8c: {  	s16 =	sshll.u32 s0, $0xA;
	s2 =	sadd.s32 s3, s2  }
0x8d: {  	s2 =	sadd.s32 s2, s16  }
0x8e: {  	[smem:$0x3FC1] =	sst s2  }
0x8f: {  	_ = 	snop  }
0x90: {  	(tm) =	ssettm $0x1  }
0x91: {  	s17 =	sld [smem:$0x3FFB];
	_ =	sdelay $0x3  }
0x92: {  	_ =	strace s17  }
0x93: {  	s2 =	sld [smem:$0x3FFC];
	_ =	sdelay $0x3  }
0x94: {  	_ =	strace s2  }
0x95: {  	s2 =	sld [smem:$0x3FFD];
	_ =	sdelay $0x3  }
0x96: {  	_ =	strace s2  }
0x97: {  	_ =	strace $0x8FFFFFFF  }
0x98: {  	s18 =	sld [smem:$0x3FDB];
	_ =	sdelay $0x1  }
0x99: {  	s19 =	simm.s32 $_scs_section_size  }
0x9a: {  	s4 =	simm.s32 $_size__tile_overlayer_lowered;
	s5 =	simm.s32 $_tile_overlayer_lowered  }
0x9b: {  	s22 =	simm.s32 $0x1BFF;
	s21 =	sshll.u32 s5, $0x1;
	s2 =	sadd.s32 s19, s18  }
0x9c: {  	s6 =	simm.s32 $0x0;
	s20 =	sshll.u32 s4, $0x1;
	s4 =	sadd.s32 s21, s2  }
0x9d: {  	[timem:s6], [sflag:s22] =	dma.local [hbm:s4], s20  }
0x9e: {  	_ =	swait.ge [sflag:s22], s20  }
0x9f: {  	s3 =	ssub.s32 $0x0, s20;
	[sflag:s22] =	ssyncset.done $0x0  }
0xa0: {  	[sflag:s22] =	ssyncadd.s32 s3;
	_ =	sdelay $0x1  }
0xa1: {  	s23 =	simm.s32 $0x1B8B  }
0xa2: {  	_ =	swait.ge [sflag:s23], $0x1  }
0xa3: {  	[sflag:s23] =	ssyncset.done $0x0  }
0xa4: {  	s25 =	simm.s32 $0x1B8E;
	s24 =	sld [smem:$0x3FFE];
	[sflag:s23] =	ssyncadd.s32 $0xFFFFFFFF  }
0xa5: {  	s26 =	simm.s32 $execute0_lowered;
	[smem:$0x3FD2] =	sst s25  }
0xa6: {  	s4 =	sshll.u32 s26, $0x1;
	_ =	strace $0x80000049;
	[dreg:$0x1] =	wrdreg $0xFFFFFFFF  }
0xa7: {  	s28 =	simm.s32 $_size_execute0_lowered;
	s2 =	sadd.s32 s2, s4;
	[dreg:$0x0] =	wrdreg $0x0  }
0xa8: {  	s4 =	sshll.u32 s28, $0x1;
	[dreg:$0x2] =	wrdreg s2  }
0xa9: {  	[dreg:$0x3] =	wrdreg s4  }
0xaa: {  	[dreg:$0x4] =	wrdreg $0xC0  }
0xab: {  	_ =	task [dreg:s6], $0x5FFFF  }
0xac: {  	[dreg:$0x1] =	wrdreg $0xFFFFFFFF  }
0xad: {  	[dreg:$0x0] =	wrdreg $0x60  }
0xae: {  	[dreg:$0x2] =	wrdreg s24  }
0xaf: {  	[dreg:$0x3] =	wrdreg $0x41000  }
0xb0: {  	[dreg:$0x4] =	wrdreg $0x9  }
0xb1: {  	_ =	task.clear_ibuf [dreg:s6], $0x5FFFF;
	_ =	strace $0x90000049  }
0xb2: {  	s29 =	simm.s32 $0x9;
	_ =	strace $0x8000004B  }
0xb3: {  	_ =	swait.ge [sflag:s29], $0x1  }
0xb4: {  	[sflag:s29] =	ssyncadd.s32 $0xFFFFFFFF  }
0xb5: {  	_ =	strace $0x9000004B  }
0xb6: {  	_ =	sfence  }
0xb7: {  	s30 =	sld [smem:$0x0];
	_ =	sdelay $0x2  }
0xb8: {  	s31 =	sshll.u32 s1, $0xD;
	s1 =	sshrl.u32 s1, $0x2  }
0xb9: {  	s3 =	sand.u32 $0x4000, s31;
	s1 =	sadd.s32 s1, s30  }
0xba: {  	s0 =	sor.u32 s3, s0;
	s1 =	sshll.u32 s1, $0x11  }
0xbb: {  	s0 =	sor.u32 s1, s0  }
0xbc: {  	s0 =	sadd.s32 $0x8F2B, s0  }
0xbd: {  	[sflag:s0] =	ssyncadd.remote.s32 $0x1  }
0xbe: {  	_ =	sfence.sel $0xFFFF  }
0xbf: {  	[dreg:$0x0] =	wrdreg $0xFFFFFFFF;
	(pc) =	sbr.abs _section_cstart, $3  }
0xc0: {  	[dreg:$0x1] =	wrdreg $0xFFFFFFFF  }
0xc1: {  	_ =	task.clear_ibuf [dreg:s6], $0x2FFFF;
	_ =	strace $0x9FFFFFFF  }
0xc2: {  	(tm) =	ssettm $0x7FFFFFFF  }
0xc3: {  	_ =	shalt  }
tec
execute0_lowered:
.L_overlay_start_1:
0x0: {  	(tag) =	ssettag $0x1  }
0x1: {  	s0 =	srdreg.scid;
	s5 =	rddreg [dreg:$0x0]  }
0x2: {  	s2 =	rddreg [dreg:$0x1];
	s1 =	stileid.u32;
	s3 =	simm.s32 $0x0  }
0x3: {  	s14 =	simm.s32 $0x100;
	s15 =	simm.s32 $0x2;
	s8 =	smul.u32 $0x14000, s1  }
0x4: {  	s16 =	simm.s32 $0x80;
	s17 =	simm.s32 $0x1;
	s29 =	smul.u32 $0x50000, s1  }
0x5: {  	s4 =	sand.u32 $0x1, s0;
	s0 =	rddreg [dreg:$0x2];
	s11 =	smul.u32 $0x500, s1  }
0x6: {  	s20 =	simm.s32 $0x0;
	[smem:$0x7FF] =	sst s3;
	s6 =	smul.u32 $0x5000, s4  }
0x7: {  	s18 =	sshll.u32 s1, $0x6;
	s7 =	smul.u32 $0x140000, s4;
	_ =	strace $0x8000004A  }
0x8: {  	s28 =	ssub.s32 $0x2, s4;
	s4 =	sadd.s32 $0x16000, s5;
	s18 =	sor.u32 $0x1C02, s18  }
0x9: {  	s30 =	sshrl.u32 s28, $0x1;
	s31 =	sshrl.u32 s29, $0x2;
	s26 =	sadd.s32 s8, s7  }
0xa: {  	s10 =	sadd.s32 s6, s5;
	s7 =	ssub.s32 s28, s30;
	s6 =	sshrl.u32 s26, $0x3  }
0xb: {  	s7 =	smax.u32 s7, $0x1;
	s13 =	sadd.s32 s11, s10;
	s6 =	sadd.s32 s6, s5  }
0xc: {  	s5 =	sadd.s32 s31, s2;
	s12 =	sadd.s32 $0xC000, s13;
	s13 =	sadd.s32 $0x2000, s13  }
0xd: {  	s6 =	sadd.s32 $0x3E000, s6;
	s8 =	sadd.s32 $0x4000, s5;
	s9 =	sadd.s32 $0x8000, s5  }
0xe: {  	v0 =	vimm.f32 $0.0e+00;
	s10 =	sadd.s32 $0xC000, s5;
	s11 =	sadd.s32 $0x10000, s5;
	s19 =	sshrl.u32 s5, $0x3  }
.LBB2_1:
0xf: {  	s21 =	simm.s32 $0x0;
	s22 =	simm.s32 $0x200  }
.LBB2_2:
0x10: {  	p0 =	sne.s32 s22, $0xFE00;
	[tilespmem:s21+$0x170] =	vst v0  }
0x11: {  	[tilespmem:s21+$0x100] =	vst v0  }
0x12: {  	[tilespmem:s21+$0x110] =	vst v0  }
.Ltmp0:
0x13: {  	[tilespmem:s21+$0x120] =	vst v0;
	(pc) =	sbr.rel @p0 .LBB2_2-.Ltmp0, $4  }
0x14: {  	[tilespmem:s21+$0x130] =	vst v0  }
0x15: {  	[tilespmem:s21+$0x140] =	vst v0  }
0x16: {  	[tilespmem:s21+$0x150] =	vst v0  }
0x17: {  	[tilespmem:s21+$0x160] =	vst v0;
	s21 =	sshra.s32 s22, $0x2;
	s22 =	sadd.s32 $0x200, s22  }
0x18: {  	[tilespmem:s21+$0x170] =	vst v0  }
0x19: {  	[tilespmem:s21+$0x100] =	vst v0  }
0x1a: {  	[tilespmem:s21+$0x110] =	vst v0  }
0x1b: {  	[tilespmem:s21+$0x120] =	vst v0  }
0x1c: {  	[tilespmem:s21+$0x130] =	vst v0  }
0x1d: {  	[tilespmem:s21+$0x140] =	vst v0  }
0x1e: {  	[tilespmem:s21+$0x150] =	vst v0  }
0x1f: {  	[tilespmem:s21+$0x160] =	vst v0  }
0x20: {  	[spmem:s5] =	stream.linear.scatter [tilespmem:s14], [sflag:$0x2], $0x4000, $0x38;
	[tilespmem:$0x18100] =	vst v63  }
0x21: {  	_ =	swait.ge [sflag:s15], $0x4000  }
0x22: {  	[sflag:s15] =	ssyncset.done $0x0  }
0x23: {  	[sflag:s15] =	ssyncadd.s32 $0xFFFFC000  }
0x24: {  	[spmem:s8] =	stream.linear.scatter [tilespmem:s14], [sflag:$0x2], $0x4000, $0x38;
	[tilespmem:$0x18100] =	vst v63  }
0x25: {  	_ =	swait.ge [sflag:s15], $0x4000  }
0x26: {  	[sflag:s15] =	ssyncset.done $0x0  }
0x27: {  	[sflag:s15] =	ssyncadd.s32 $0xFFFFC000  }
0x28: {  	[spmem:s9] =	stream.linear.scatter [tilespmem:s14], [sflag:$0x2], $0x4000, $0x38;
	[tilespmem:$0x18100] =	vst v63  }
0x29: {  	_ =	swait.ge [sflag:s15], $0x4000  }
0x2a: {  	[sflag:s15] =	ssyncset.done $0x0  }
0x2b: {  	[sflag:s15] =	ssyncadd.s32 $0xFFFFC000  }
0x2c: {  	[spmem:s10] =	stream.linear.scatter [tilespmem:s14], [sflag:$0x2], $0x4000, $0x38;
	[tilespmem:$0x18100] =	vst v63  }
0x2d: {  	_ =	swait.ge [sflag:s15], $0x4000  }
0x2e: {  	[sflag:s15] =	ssyncset.done $0x0  }
0x2f: {  	[sflag:s15] =	ssyncadd.s32 $0xFFFFC000  }
0x30: {  	[spmem:s11] =	stream.linear.scatter [tilespmem:s14], [sflag:$0x2], $0x4000, $0x38;
	[tilespmem:$0x18100] =	vst v63  }
0x31: {  	_ =	swait.ge [sflag:s15], $0x4000  }
0x32: {  	[sflag:s15] =	ssyncset.done $0x0  }
0x33: {  	[sflag:s15] =	ssyncadd.s32 $0xFFFFC000  }
0x34: {  	s30 =	sadd.s32 $0x0, s13;
	[bflag:$0x0] =	sbarrier.arrive $0xFFFF  }
0x35: {  	[tilespmem:s3], [sflag:$0x2] =	stream.linear.gather [hbm4b:s30+s3], $0x80, $0x38;
	[tilespmem:$0x18100] =	vst v63  }
0x36: {  	_ =	swait.ge [sflag:s15], $0x80  }
0x37: {  	[sflag:s15] =	ssyncset.done $0x0  }
0x38: {  	s31 =	sadd.s32 $0x0, s12;
	[sflag:s15] =	ssyncadd.s32 $0xFFFFFF80  }
0x39: {  	[tilespmem:s16], [sflag:$0x2] =	stream.linear.gather [hbm4b:s31+s3], $0x80, $0x38;
	[tilespmem:$0x18100] =	vst v63  }
0x3a: {  	_ =	swait.ge [sflag:s15], $0x80  }
0x3b: {  	[sflag:s15] =	ssyncset.done $0x0  }
0x3c: {  	[sflag:s15] =	ssyncadd.s32 $0xFFFFFF80  }
0x3d: {  	[tilespmem:s14], [sflag:$0x1] =	stream.indirect.gather [hbm4b:s4+s16], $0x80, s3, s16, $0xb8;
	[tilespmem:$0x18100] =	vst v63  }
0x3e: {  	_ =	swait.ge [sflag:s17], $0x4000  }
0x3f: {  	[sflag:s17] =	ssyncset.done $0x0  }
0x40: {  	[sflag:s17] =	ssyncadd.s32 $0xFFFFC000  }
0x41: {  	[spmem:s2] =	stream.indirect.scatter.add.f32 [tilespmem:s14], [sflag:$0x2], $0x80, s16, s16, $0xb8;
	[tilespmem:$0x18100] =	vst v63  }
0x42: {  	_ =	swait.ge [sflag:s15], $0x4000  }
0x43: {  	s21 =	simm.s32 $0x10;
	s22 =	simm.s32 $0x20;
	[sflag:s15] =	ssyncset.done $0x0  }
.LBB2_4:
0x44: {  	s23 =	sadd.s32 s21, s13  }
0x45: {  	[sflag:s15] =	ssyncadd.s32 $0xFFFFC000;
	s24 =	smov.u32 s22;
	s25 =	sadd.s32 $0x10, s22  }
0x46: {  	[tilespmem:s3], [sflag:$0x2] =	stream.linear.gather [hbm4b:s23+s3], $0x80, $0x38;
	[tilespmem:$0x18100] =	vst v63  }
0x47: {  	p0 =	sne.s32 s22, $0x4F0;
	_ =	swait.ge [sflag:s15], $0x80  }
0x48: {  	[sflag:s15] =	ssyncset.done $0x0  }
0x49: {  	s22 =	sadd.s32 s21, s12;
	s21 =	smov.u32 s24;
	[sflag:s15] =	ssyncadd.s32 $0xFFFFFF80  }
0x4a: {  	[tilespmem:s16], [sflag:$0x2] =	stream.linear.gather [hbm4b:s22+s3], $0x80, $0x38;
	[tilespmem:$0x18100] =	vst v63  }
0x4b: {  	_ =	swait.ge [sflag:s15], $0x80  }
0x4c: {  	[sflag:s15] =	ssyncset.done $0x0  }
0x4d: {  	[sflag:s15] =	ssyncadd.s32 $0xFFFFFF80  }
0x4e: {  	[tilespmem:s14], [sflag:$0x1] =	stream.indirect.gather [hbm4b:s4+s16], $0x80, s3, s16, $0xb8;
	[tilespmem:$0x18100] =	vst v63  }
0x4f: {  	_ =	swait.ge [sflag:s17], $0x4000  }
.Ltmp1:
0x50: {  	[sflag:s17] =	ssyncset.done $0x0;
	(pc) =	sbr.rel @p0 .LBB2_4-.Ltmp1, $4  }
0x51: {  	[sflag:s17] =	ssyncadd.s32 $0xFFFFC000  }
0x52: {  	[spmem:s2] =	stream.indirect.scatter.add.f32 [tilespmem:s14], [sflag:$0x2], $0x80, s16, s16, $0xb8;
	[tilespmem:$0x18100] =	vst v63  }
0x53: {  	_ =	swait.ge [sflag:s15], $0x4000  }
0x54: {  	s22 =	smov.u32 s25;
	[sflag:s15] =	ssyncset.done $0x0  }
0x55: {  	s22 =	sadd.s32 s21, s13;
	[sflag:s15] =	ssyncadd.s32 $0xFFFFC000  }
0x56: {  	[tilespmem:s3], [sflag:$0x2] =	stream.linear.gather [hbm4b:s22+s3], $0x80, $0x38;
	[tilespmem:$0x18100] =	vst v63  }
0x57: {  	_ =	swait.ge [sflag:s15], $0x80  }
0x58: {  	[sflag:s15] =	ssyncset.done $0x0  }
0x59: {  	s31 =	sadd.s32 s21, s12;
	[sflag:s15] =	ssyncadd.s32 $0xFFFFFF80  }
0x5a: {  	[tilespmem:s16], [sflag:$0x2] =	stream.linear.gather [hbm4b:s31+s3], $0x80, $0x38;
	[tilespmem:$0x18100] =	vst v63  }
0x5b: {  	_ =	swait.ge [sflag:s15], $0x80  }
0x5c: {  	[sflag:s15] =	ssyncset.done $0x0  }
0x5d: {  	[sflag:s15] =	ssyncadd.s32 $0xFFFFFF80  }
0x5e: {  	[tilespmem:s14], [sflag:$0x1] =	stream.indirect.gather [hbm4b:s4+s16], $0x80, s3, s16, $0xb8;
	[tilespmem:$0x18100] =	vst v63  }
0x5f: {  	_ =	swait.ge [sflag:s17], $0x4000  }
0x60: {  	[sflag:s17] =	ssyncset.done $0x0  }
0x61: {  	[sflag:s17] =	ssyncadd.s32 $0xFFFFC000  }
0x62: {  	[spmem:s2] =	stream.indirect.scatter.add.f32 [tilespmem:s14], [sflag:$0x2], $0x80, s16, s16, $0xb8;
	[tilespmem:$0x18100] =	vst v63  }
0x63: {  	_ =	swait.ge [sflag:s15], $0x4000  }
0x64: {  	s20 =	sadd.s32 $0x1, s20;
	[sflag:s15] =	ssyncset.done $0x0  }
0x65: {  	p0 =	sne.s32 s20, s7;
	[sflag:s15] =	ssyncadd.s32 $0xFFFFC000  }
.Ltmp2:
0x66: {  	[bflag:$0x0] =	sbarrier.arrive $0xFFFF;
	(pc) =	sbr.rel @p0 .LBB2_1-.Ltmp2, $4  }
0x67: {  	[hbm:s6], [sflag:s18] =	dma.local [spmem:s19], $0x2800  }
0x68: {  	_ =	swait.ge [sflag:s15], $0x2800  }
0x69: {  	[sflag:s15] =	ssyncset.done $0x0  }
0x6a: {  	[sflag:s15] =	ssyncadd.s32 $0xFFFFD800  }
0x6b: {  	_ =	sfence.sel $0x180000  }
0x6c: {  	[bflag:$0x0] =	sbarrier.arrive $0xFFFF  }
0x6d: {  	p0 =	sne.s32 s1, $0x0;
	_ =	strace $0x9000004A  }
0x6e: {  	s0 =	sadd.s32 @!p0 $0x100000, s0;
	[bflag:$0x2] =	sbarrier.arrive $0xFFFF  }
0x6f: {  	[sflag:s0] =	ssyncadd.tile.s32 @!p0 $0x1;
	_ =	shalt  }
.Lfunc_end2:
_tile_overlayer_lowered:
.L_overlay_start_2:
0x70: {  	(tag) =	ssettag $0x2  }
0x71: {  	s0 =	rddreg [dreg:$0x0];
	s2 =	stileid.u32  }
0x72: {  	s1 =	rddreg [dreg:$0x1];
	p0 =	sne.s32 s2, $0x0  }
0x73: {  	s3 =	rddreg [dreg:$0x2];
	[bflag:$0x3] =	sbarrier.arrive $0xFFFF;
	s2 =	simm.s32 @!p0 $0x1C02  }
0x74: {  	[timem:s3], [sflag:s2] =	dma.local @!p0 [hbm:s0], s1  }
0x75: {  	s0 =	simm.s32 @!p0 $0x2  }
0x76: {  	_ =	swait.ge @!p0 [sflag:s0], s1  }
0x77: {  	s1 =	ssub.s32 @!p0 $0x0, s1;
	[sflag:s0] =	ssyncset.done @!p0 $0x0  }
0x78: {  	[sflag:s0] =	ssyncadd.s32 @!p0 s1  }
0x79: {  	[bflag:$0x3] =	sbarrier.arrive $0xFFFF  }
0x7a: {  	_ =	shalt  }

// kernel: kernel.14.cloned.1.call-start
scs
__scs_entry_jumppad:
0x0: {  	(pc) =	sbr.rel $0x88, $3  }
0x1: {  	(tag) =	ssettag $0x0;
	lr =	simm.s32 $0x1  }
0x2: {  	[smem:$0x3F9A] =	sst lr;
	_ =	strace $0xD0000000  }
0x3: {  	_ = 	snop  }
0x4: {  	_ = 	snop  }
0x5: {  	_ = 	snop  }
0x6: {  	_ = 	snop  }
0x7: {  	_ = 	snop  }
__scs_overlays_trampoline_lowered:
0x8: {  	[smem:$0x3FA9] =	sst s0  }
0x9: {  	[smem:$0x3FAA] =	sst s1  }
0xa: {  	[smem:$0x3FAB] =	sst s2  }
0xb: {  	[smem:$0x3FAC] =	sst s3  }
0xc: {  	[smem:$0x3FAD] =	sst s4  }
0xd: {  	[smem:$0x3FAE] =	sst s5  }
0xe: {  	[smem:$0x3FAF] =	sst s6  }
0xf: {  	[smem:$0x3FB0] =	sst s7  }
0x10: {  	[smem:$0x3FB1] =	sst s8  }
0x11: {  	[smem:$0x3FB2] =	sst s9;
	s0 =	simm.s32 @!p0 $0x0  }
0x12: {  	s1 =	sld [smem:$0x3F98];
	s0 =	simm.s32 @p0 $0x1  }
0x13: {  	[smem:$0x3FB3] =	sst s0;
	s0 =	simm.s32 @!p1 $0x0  }
0x14: {  	s2 =	sld [smem:$0x3F97];
	s0 =	simm.s32 @p1 $0x1  }
0x15: {  	[smem:$0x3FB4] =	sst s0;
	s0 =	simm.s32 @!p2 $0x0  }
0x16: {  	s3 =	sld [smem:$0x3FDB];
	s0 =	simm.s32 @p2 $0x1  }
0x17: {  	s4 =	simm.s32 $0x1BF5;
	[smem:$0x3FB6] =	sst s0  }
0x18: {  	s0 =	sld [smem:$0x3F99];
	_ =	swait.ge [sflag:s4], $0x0  }
0x19: {  	s7 =	sld [smem:$0x3F9A]  }
0x1a: {  	s8 =	sadd.s32 $0xFFFFE003, lr  }
0x1b: {  	s9 =	sadd.s32 $0xFFFFFEF7, lr;
	s5 =	simm.s32 $0xFFFFFFFF;
	p2 =	slt.u32 s8, $0xFFFFF086  }
0x1c: {  	p1 =	slt.u32 s9, $0xF7A;
	s5 =	simm.s32 @!p2 $0x0  }
0x1d: {  	s5 =	simm.s32 @p1 $0x1;
	p0 =	seq.s32 s7, s2  }
0x1e: {  	s7 =	smul.u32 @!p0 $0xF7A, s2;
	p2 =	seq.s32 @!p0 s5, $0x0  }
0x1f: {  	s9 =	smul.u32 $0xF7A, s1;
	s8 =	simm.s32 @!p0 $0x1BF5;
	p2 =	por !p2, p0  }
0x20: {  	[sflag:s8] =	ssyncset.s32 @!p0 $0xFFFFF086;
	s6 =	sadd.s32 @!p0 s3, s7;
	s7 =	simm.s32 @!p0 $0x108  }
0x21: {  	s3 =	sadd.s32 s3, s9;
	s6 =	sadd.s32 @!p0 $0x88, s6;
	s7 =	simm.s32 @p2 $0x1082  }
0x22: {  	[simem:s7], [sflag:s8] =	dma.local @!p0 [hbm:s6], $0xF7A  }
0x23: {  	s9 =	sor.u32 $0xD0000000, s2;
	s6 =	simm.s32 $0x108;
	_ =	swait.ge @!p0 [sflag:s8], $0x0  }
0x24: {  	s3 =	sadd.s32 $0x88, s3;
	s6 =	simm.s32 @!p1 $0x1082;
	[sflag:s4] =	ssyncset.s32 $0xFFFFF086  }
0x25: {  	[simem:s6], [sflag:s4] =	dma.local [hbm:s3], $0xF7A  }
0x26: {  	[smem:$0x3F9A] =	sst s1;
	(tag) =	ssettag s2;
	_ =	strace s9  }
0x27: {  	s1 =	sld [smem:$0x3FAA]  }
0x28: {  	s2 =	sld [smem:$0x3FAB]  }
0x29: {  	s4 =	sld [smem:$0x3FAD]  }
0x2a: {  	p0 =	seq.s32 s5, $0x0;
	s5 =	sld [smem:$0x3FAE]  }
0x2b: {  	s6 =	sld [smem:$0x3FAF]  }
0x2c: {  	s7 =	sld [smem:$0x3FB0]  }
0x2d: {  	s3 =	simm.s32 $0x108;
	s8 =	sld [smem:$0x3FB1]  }
0x2e: {  	s3 =	simm.s32 @!p0 $0x1082;
	s9 =	sld [smem:$0x3FB2]  }
0x2f: {  	lr =	sadd.s32 s0, s3;
	s0 =	sld [smem:$0x3FA9]  }
0x30: {  	s3 =	sld [smem:$0x3FAC]  }
0x31: {  	[smem:$0x3FB5] =	sst s10  }
0x32: {  	s10 =	sld [smem:$0x3FB3];
	_ =	sdelay $0x3  }
0x33: {  	p0 =	seq.s32 s10, $0x1;
	s10 =	sld [smem:$0x3FB5];
	_ =	sdelay $0x3  }
0x34: {  	[smem:$0x3FB5] =	sst s10  }
0x35: {  	s10 =	sld [smem:$0x3FB4];
	_ =	sdelay $0x3  }
0x36: {  	p1 =	seq.s32 s10, $0x1;
	s10 =	sld [smem:$0x3FB5];
	_ =	sdelay $0x3  }
0x37: {  	[smem:$0x3FB5] =	sst s10  }
0x38: {  	s10 =	sld [smem:$0x3FB6]  }
0x39: {  	_ = 	snop;
	(pc) =	sbr.ind lr, $3  }
0x3a: {  	_ = 	snop  }
0x3b: {  	_ = 	snop  }
0x3c: {  	p2 =	seq.s32 s10, $0x1;
	s10 =	sld [smem:$0x3FB5]  }
0x3d: {  	_ =	shalt  }
0x3e: {  	_ =	shalt  }
0x3f: {  	_ =	shalt  }
0x40: {  	_ =	shalt  }
0x41: {  	_ =	shalt  }
0x42: {  	_ =	shalt  }
0x43: {  	_ =	shalt  }
0x44: {  	_ =	shalt  }
0x45: {  	_ =	shalt  }
0x46: {  	_ =	shalt  }
0x47: {  	_ =	shalt  }
0x48: {  	_ =	shalt  }
0x49: {  	_ =	shalt  }
0x4a: {  	_ =	shalt  }
0x4b: {  	_ =	shalt  }
0x4c: {  	_ =	shalt  }
0x4d: {  	_ =	shalt  }
0x4e: {  	_ =	shalt  }
0x4f: {  	_ =	shalt  }
0x50: {  	_ =	shalt  }
0x51: {  	_ =	shalt  }
0x52: {  	_ =	shalt  }
0x53: {  	_ =	shalt  }
0x54: {  	_ =	shalt  }
0x55: {  	_ =	shalt  }
0x56: {  	_ =	shalt  }
0x57: {  	_ =	shalt  }
0x58: {  	_ =	shalt  }
0x59: {  	_ =	shalt  }
0x5a: {  	_ =	shalt  }
0x5b: {  	_ =	shalt  }
0x5c: {  	_ =	shalt  }
0x5d: {  	_ =	shalt  }
0x5e: {  	_ =	shalt  }
0x5f: {  	_ =	shalt  }
0x60: {  	_ =	shalt  }
0x61: {  	_ =	shalt  }
0x62: {  	_ =	shalt  }
0x63: {  	_ =	shalt  }
0x64: {  	_ =	shalt  }
0x65: {  	_ =	shalt  }
0x66: {  	_ =	shalt  }
0x67: {  	_ =	shalt  }
0x68: {  	_ =	shalt  }
0x69: {  	_ =	shalt  }
0x6a: {  	_ =	shalt  }
0x6b: {  	_ =	shalt  }
0x6c: {  	_ =	shalt  }
0x6d: {  	_ =	shalt  }
0x6e: {  	_ =	shalt  }
0x6f: {  	_ =	shalt  }
0x70: {  	_ =	shalt  }
0x71: {  	_ =	shalt  }
0x72: {  	_ =	shalt  }
0x73: {  	_ =	shalt  }
0x74: {  	_ =	shalt  }
0x75: {  	_ =	shalt  }
0x76: {  	_ =	shalt  }
0x77: {  	_ =	shalt  }
0x78: {  	_ =	shalt  }
0x79: {  	_ =	shalt  }
0x7a: {  	_ =	shalt  }
0x7b: {  	_ =	shalt  }
0x7c: {  	_ =	shalt  }
0x7d: {  	_ =	shalt  }
0x7e: {  	_ =	shalt  }
0x7f: {  	_ =	shalt  }
0x80: {  	_ =	shalt  }
0x81: {  	_ =	shalt  }
0x82: {  	_ =	shalt  }
0x83: {  	_ =	shalt  }
0x84: {  	_ =	shalt  }
0x85: {  	_ =	shalt  }
0x86: {  	_ =	shalt  }
0x87: {  	_ =	shalt  }
.Lfunc_end0:
.L_simem_size_0:
called_computation.2_lowered:
.L_overlay_start_0:
0x88: {  	s2 =	sld [smem:$0x3FD9]  }
0x89: {  	s3 =	sld [smem:$0x3FFE];
	_ =	sdelay $0x1  }
0x8a: {  	s1 =	srdreg.scid  }
0x8b: {  	s0 =	sand.u32 $0x1, s1  }
0x8c: {  	s16 =	sshll.u32 s0, $0xA;
	s2 =	sadd.s32 s3, s2  }
0x8d: {  	s2 =	sadd.s32 s2, s16  }
0x8e: {  	[smem:$0x3FC1] =	sst s2  }
0x8f: {  	_ = 	snop  }
0x90: {  	(tm) =	ssettm $0x1  }
0x91: {  	s17 =	sld [smem:$0x3FFB];
	_ =	sdelay $0x3  }
0x92: {  	_ =	strace s17  }
0x93: {  	s2 =	sld [smem:$0x3FFC];
	_ =	sdelay $0x3  }
0x94: {  	_ =	strace s2  }
0x95: {  	s2 =	sld [smem:$0x3FFD];
	_ =	sdelay $0x3  }
0x96: {  	_ =	strace s2  }
0x97: {  	_ =	strace $0x8FFFFFFF  }
0x98: {  	s18 =	sld [smem:$0x3FDB];
	_ =	sdelay $0x1  }
0x99: {  	s19 =	simm.s32 $_scs_section_size  }
0x9a: {  	s4 =	simm.s32 $_size__tile_overlayer_lowered;
	s5 =	simm.s32 $_tile_overlayer_lowered  }
0x9b: {  	s22 =	simm.s32 $0x1BFF;
	s21 =	sshll.u32 s5, $0x1;
	s2 =	sadd.s32 s19, s18  }
0x9c: {  	s6 =	simm.s32 $0x0;
	s20 =	sshll.u32 s4, $0x1;
	s4 =	sadd.s32 s21, s2  }
0x9d: {  	[timem:s6], [sflag:s22] =	dma.local [hbm:s4], s20  }
0x9e: {  	_ =	swait.ge [sflag:s22], s20  }
0x9f: {  	s3 =	ssub.s32 $0x0, s20;
	[sflag:s22] =	ssyncset.done $0x0  }
0xa0: {  	[sflag:s22] =	ssyncadd.s32 s3;
	_ =	sdelay $0x1  }
0xa1: {  	s23 =	simm.s32 $0x1B8B  }
0xa2: {  	_ =	swait.ge [sflag:s23], $0x1  }
0xa3: {  	[sflag:s23] =	ssyncset.done $0x0  }
0xa4: {  	s25 =	simm.s32 $0x1B8E;
	s24 =	sld [smem:$0x3FFE];
	[sflag:s23] =	ssyncadd.s32 $0xFFFFFFFF  }
0xa5: {  	s26 =	simm.s32 $execute0_lowered;
	[smem:$0x3FD2] =	sst s25  }
0xa6: {  	s4 =	sshll.u32 s26, $0x1;
	_ =	strace $0x8000004C;
	[dreg:$0x1] =	wrdreg $0xFFFFFFFF  }
0xa7: {  	s28 =	simm.s32 $_size_execute0_lowered;
	s2 =	sadd.s32 s2, s4;
	[dreg:$0x0] =	wrdreg $0x0  }
0xa8: {  	s4 =	sshll.u32 s28, $0x1;
	[dreg:$0x2] =	wrdreg s2  }
0xa9: {  	[dreg:$0x3] =	wrdreg s4  }
0xaa: {  	[dreg:$0x4] =	wrdreg $0xC0  }
0xab: {  	_ =	task [dreg:s6], $0x5FFFF  }
0xac: {  	[dreg:$0x1] =	wrdreg $0xFFFFFFFF  }
0xad: {  	[dreg:$0x0] =	wrdreg $0x60  }
0xae: {  	[dreg:$0x2] =	wrdreg s24  }
0xaf: {  	[dreg:$0x3] =	wrdreg $0x41000  }
0xb0: {  	[dreg:$0x4] =	wrdreg $0x9  }
0xb1: {  	_ =	task.clear_ibuf [dreg:s6], $0x5FFFF;
	_ =	strace $0x9000004C  }
0xb2: {  	s29 =	simm.s32 $0x9;
	_ =	strace $0x8000004E  }
0xb3: {  	_ =	swait.ge [sflag:s29], $0x1  }
0xb4: {  	[sflag:s29] =	ssyncadd.s32 $0xFFFFFFFF  }
0xb5: {  	_ =	strace $0x9000004E  }
0xb6: {  	_ =	sfence  }
0xb7: {  	s30 =	sld [smem:$0x0];
	_ =	sdelay $0x2  }
0xb8: {  	s31 =	sshll.u32 s1, $0xD;
	s1 =	sshrl.u32 s1, $0x2  }
0xb9: {  	s3 =	sand.u32 $0x4000, s31;
	s1 =	sadd.s32 s1, s30  }
0xba: {  	s0 =	sor.u32 s3, s0;
	s1 =	sshll.u32 s1, $0x11  }
0xbb: {  	s0 =	sor.u32 s1, s0  }
0xbc: {  	s0 =	sadd.s32 $0x8F2B, s0  }
0xbd: {  	[sflag:s0] =	ssyncadd.remote.s32 $0x1  }
0xbe: {  	_ =	sfence.sel $0xFFFF  }
0xbf: {  	[dreg:$0x0] =	wrdreg $0xFFFFFFFF;
	(pc) =	sbr.abs _section_cstart, $3  }
0xc0: {  	[dreg:$0x1] =	wrdreg $0xFFFFFFFF  }
0xc1: {  	_ =	task.clear_ibuf [dreg:s6], $0x2FFFF;
	_ =	strace $0x9FFFFFFF  }
0xc2: {  	(tm) =	ssettm $0x7FFFFFFF  }
0xc3: {  	_ =	shalt  }
tec
execute0_lowered:
.L_overlay_start_1:
0x0: {  	(tag) =	ssettag $0x1  }
0x1: {  	s0 =	srdreg.scid;
	s5 =	rddreg [dreg:$0x0]  }
0x2: {  	s2 =	rddreg [dreg:$0x1];
	s1 =	stileid.u32;
	s3 =	simm.s32 $0x0  }
0x3: {  	s14 =	simm.s32 $0x100;
	s15 =	simm.s32 $0x2;
	s8 =	smul.u32 $0x14000, s1  }
0x4: {  	s16 =	simm.s32 $0x80;
	s17 =	simm.s32 $0x1;
	s29 =	smul.u32 $0x50000, s1  }
0x5: {  	s4 =	sand.u32 $0x1, s0;
	s0 =	rddreg [dreg:$0x2];
	s11 =	smul.u32 $0x500, s1  }
0x6: {  	s20 =	simm.s32 $0x0;
	[smem:$0x7FF] =	sst s3;
	s6 =	smul.u32 $0x5000, s4  }
0x7: {  	s18 =	sshll.u32 s1, $0x6;
	s7 =	smul.u32 $0x140000, s4;
	_ =	strace $0x8000004D  }
0x8: {  	s28 =	ssub.s32 $0x2, s4;
	s4 =	sadd.s32 $0x16000, s5;
	s18 =	sor.u32 $0x1C02, s18  }
0x9: {  	s30 =	sshrl.u32 s28, $0x1;
	s31 =	sshrl.u32 s29, $0x2;
	s26 =	sadd.s32 s8, s7  }
0xa: {  	s10 =	sadd.s32 s6, s5;
	s7 =	ssub.s32 s28, s30;
	s6 =	sshrl.u32 s26, $0x3  }
0xb: {  	s7 =	smax.u32 s7, $0x1;
	s13 =	sadd.s32 s11, s10;
	s6 =	sadd.s32 s6, s5  }
0xc: {  	s5 =	sadd.s32 s31, s2;
	s12 =	sadd.s32 $0xC000, s13;
	s13 =	sadd.s32 $0x2000, s13  }
0xd: {  	s6 =	sadd.s32 $0x3E000, s6;
	s8 =	sadd.s32 $0x4000, s5;
	s9 =	sadd.s32 $0x8000, s5  }
0xe: {  	v0 =	vimm.f32 $0.0e+00;
	s10 =	sadd.s32 $0xC000, s5;
	s11 =	sadd.s32 $0x10000, s5;
	s19 =	sshrl.u32 s5, $0x3  }
.LBB2_1:
0xf: {  	s21 =	simm.s32 $0x0;
	s22 =	simm.s32 $0x200  }
.LBB2_2:
0x10: {  	p0 =	sne.s32 s22, $0xFE00;
	[tilespmem:s21+$0x170] =	vst v0  }
0x11: {  	[tilespmem:s21+$0x100] =	vst v0  }
0x12: {  	[tilespmem:s21+$0x110] =	vst v0  }
.Ltmp0:
0x13: {  	[tilespmem:s21+$0x120] =	vst v0;
	(pc) =	sbr.rel @p0 .LBB2_2-.Ltmp0, $4  }
0x14: {  	[tilespmem:s21+$0x130] =	vst v0  }
0x15: {  	[tilespmem:s21+$0x140] =	vst v0  }
0x16: {  	[tilespmem:s21+$0x150] =	vst v0  }
0x17: {  	[tilespmem:s21+$0x160] =	vst v0;
	s21 =	sshra.s32 s22, $0x2;
	s22 =	sadd.s32 $0x200, s22  }
0x18: {  	[tilespmem:s21+$0x170] =	vst v0  }
0x19: {  	[tilespmem:s21+$0x100] =	vst v0  }
0x1a: {  	[tilespmem:s21+$0x110] =	vst v0  }
0x1b: {  	[tilespmem:s21+$0x120] =	vst v0  }
0x1c: {  	[tilespmem:s21+$0x130] =	vst v0  }
0x1d: {  	[tilespmem:s21+$0x140] =	vst v0  }
0x1e: {  	[tilespmem:s21+$0x150] =	vst v0  }
0x1f: {  	[tilespmem:s21+$0x160] =	vst v0  }
0x20: {  	[spmem:s5] =	stream.linear.scatter [tilespmem:s14], [sflag:$0x2], $0x4000, $0x38;
	[tilespmem:$0x18100] =	vst v63  }
0x21: {  	_ =	swait.ge [sflag:s15], $0x4000  }
0x22: {  	[sflag:s15] =	ssyncset.done $0x0  }
0x23: {  	[sflag:s15] =	ssyncadd.s32 $0xFFFFC000  }
0x24: {  	[spmem:s8] =	stream.linear.scatter [tilespmem:s14], [sflag:$0x2], $0x4000, $0x38;
	[tilespmem:$0x18100] =	vst v63  }
0x25: {  	_ =	swait.ge [sflag:s15], $0x4000  }
0x26: {  	[sflag:s15] =	ssyncset.done $0x0  }
0x27: {  	[sflag:s15] =	ssyncadd.s32 $0xFFFFC000  }
0x28: {  	[spmem:s9] =	stream.linear.scatter [tilespmem:s14], [sflag:$0x2], $0x4000, $0x38;
	[tilespmem:$0x18100] =	vst v63  }
0x29: {  	_ =	swait.ge [sflag:s15], $0x4000  }
0x2a: {  	[sflag:s15] =	ssyncset.done $0x0  }
0x2b: {  	[sflag:s15] =	ssyncadd.s32 $0xFFFFC000  }
0x2c: {  	[spmem:s10] =	stream.linear.scatter [tilespmem:s14], [sflag:$0x2], $0x4000, $0x38;
	[tilespmem:$0x18100] =	vst v63  }
0x2d: {  	_ =	swait.ge [sflag:s15], $0x4000  }
0x2e: {  	[sflag:s15] =	ssyncset.done $0x0  }
0x2f: {  	[sflag:s15] =	ssyncadd.s32 $0xFFFFC000  }
0x30: {  	[spmem:s11] =	stream.linear.scatter [tilespmem:s14], [sflag:$0x2], $0x4000, $0x38;
	[tilespmem:$0x18100] =	vst v63  }
0x31: {  	_ =	swait.ge [sflag:s15], $0x4000  }
0x32: {  	[sflag:s15] =	ssyncset.done $0x0  }
0x33: {  	[sflag:s15] =	ssyncadd.s32 $0xFFFFC000  }
0x34: {  	s30 =	sadd.s32 $0x0, s13;
	[bflag:$0x0] =	sbarrier.arrive $0xFFFF  }
0x35: {  	[tilespmem:s3], [sflag:$0x2] =	stream.linear.gather [hbm4b:s30+s3], $0x80, $0x38;
	[tilespmem:$0x18100] =	vst v63  }
0x36: {  	_ =	swait.ge [sflag:s15], $0x80  }
0x37: {  	[sflag:s15] =	ssyncset.done $0x0  }
0x38: {  	s31 =	sadd.s32 $0x0, s12;
	[sflag:s15] =	ssyncadd.s32 $0xFFFFFF80  }
0x39: {  	[tilespmem:s16], [sflag:$0x2] =	stream.linear.gather [hbm4b:s31+s3], $0x80, $0x38;
	[tilespmem:$0x18100] =	vst v63  }
0x3a: {  	_ =	swait.ge [sflag:s15], $0x80  }
0x3b: {  	[sflag:s15] =	ssyncset.done $0x0  }
0x3c: {  	[sflag:s15] =	ssyncadd.s32 $0xFFFFFF80  }
0x3d: {  	[tilespmem:s14], [sflag:$0x1] =	stream.indirect.gather [hbm4b:s4+s16], $0x80, s3, s16, $0xb8;
	[tilespmem:$0x18100] =	vst v63  }
0x3e: {  	_ =	swait.ge [sflag:s17], $0x4000  }
0x3f: {  	[sflag:s17] =	ssyncset.done $0x0  }
0x40: {  	[sflag:s17] =	ssyncadd.s32 $0xFFFFC000  }
0x41: {  	[spmem:s2] =	stream.indirect.scatter.add.f32 [tilespmem:s14], [sflag:$0x2], $0x80, s16, s16, $0xb8;
	[tilespmem:$0x18100] =	vst v63  }
0x42: {  	_ =	swait.ge [sflag:s15], $0x4000  }
0x43: {  	s21 =	simm.s32 $0x10;
	s22 =	simm.s32 $0x20;
	[sflag:s15] =	ssyncset.done $0x0  }
.LBB2_4:
0x44: {  	s23 =	sadd.s32 s21, s13  }
0x45: {  	[sflag:s15] =	ssyncadd.s32 $0xFFFFC000;
	s24 =	smov.u32 s22;
	s25 =	sadd.s32 $0x10, s22  }
0x46: {  	[tilespmem:s3], [sflag:$0x2] =	stream.linear.gather [hbm4b:s23+s3], $0x80, $0x38;
	[tilespmem:$0x18100] =	vst v63  }
0x47: {  	p0 =	sne.s32 s22, $0x4F0;
	_ =	swait.ge [sflag:s15], $0x80  }
0x48: {  	[sflag:s15] =	ssyncset.done $0x0  }
0x49: {  	s22 =	sadd.s32 s21, s12;
	s21 =	smov.u32 s24;
	[sflag:s15] =	ssyncadd.s32 $0xFFFFFF80  }
0x4a: {  	[tilespmem:s16], [sflag:$0x2] =	stream.linear.gather [hbm4b:s22+s3], $0x80, $0x38;
	[tilespmem:$0x18100] =	vst v63  }
0x4b: {  	_ =	swait.ge [sflag:s15], $0x80  }
0x4c: {  	[sflag:s15] =	ssyncset.done $0x0  }
0x4d: {  	[sflag:s15] =	ssyncadd.s32 $0xFFFFFF80  }
0x4e: {  	[tilespmem:s14], [sflag:$0x1] =	stream.indirect.gather [hbm4b:s4+s16], $0x80, s3, s16, $0xb8;
	[tilespmem:$0x18100] =	vst v63  }
0x4f: {  	_ =	swait.ge [sflag:s17], $0x4000  }
.Ltmp1:
0x50: {  	[sflag:s17] =	ssyncset.done $0x0;
	(pc) =	sbr.rel @p0 .LBB2_4-.Ltmp1, $4  }
0x51: {  	[sflag:s17] =	ssyncadd.s32 $0xFFFFC000  }
0x52: {  	[spmem:s2] =	stream.indirect.scatter.add.f32 [tilespmem:s14], [sflag:$0x2], $0x80, s16, s16, $0xb8;
	[tilespmem:$0x18100] =	vst v63  }
0x53: {  	_ =	swait.ge [sflag:s15], $0x4000  }
0x54: {  	s22 =	smov.u32 s25;
	[sflag:s15] =	ssyncset.done $0x0  }
0x55: {  	s22 =	sadd.s32 s21, s13;
	[sflag:s15] =	ssyncadd.s32 $0xFFFFC000  }
0x56: {  	[tilespmem:s3], [sflag:$0x2] =	stream.linear.gather [hbm4b:s22+s3], $0x80, $0x38;
	[tilespmem:$0x18100] =	vst v63  }
0x57: {  	_ =	swait.ge [sflag:s15], $0x80  }
0x58: {  	[sflag:s15] =	ssyncset.done $0x0  }
0x59: {  	s31 =	sadd.s32 s21, s12;
	[sflag:s15] =	ssyncadd.s32 $0xFFFFFF80  }
0x5a: {  	[tilespmem:s16], [sflag:$0x2] =	stream.linear.gather [hbm4b:s31+s3], $0x80, $0x38;
	[tilespmem:$0x18100] =	vst v63  }
0x5b: {  	_ =	swait.ge [sflag:s15], $0x80  }
0x5c: {  	[sflag:s15] =	ssyncset.done $0x0  }
0x5d: {  	[sflag:s15] =	ssyncadd.s32 $0xFFFFFF80  }
0x5e: {  	[tilespmem:s14], [sflag:$0x1] =	stream.indirect.gather [hbm4b:s4+s16], $0x80, s3, s16, $0xb8;
	[tilespmem:$0x18100] =	vst v63  }
0x5f: {  	_ =	swait.ge [sflag:s17], $0x4000  }
0x60: {  	[sflag:s17] =	ssyncset.done $0x0  }
0x61: {  	[sflag:s17] =	ssyncadd.s32 $0xFFFFC000  }
0x62: {  	[spmem:s2] =	stream.indirect.scatter.add.f32 [tilespmem:s14], [sflag:$0x2], $0x80, s16, s16, $0xb8;
	[tilespmem:$0x18100] =	vst v63  }
0x63: {  	_ =	swait.ge [sflag:s15], $0x4000  }
0x64: {  	s20 =	sadd.s32 $0x1, s20;
	[sflag:s15] =	ssyncset.done $0x0  }
0x65: {  	p0 =	sne.s32 s20, s7;
	[sflag:s15] =	ssyncadd.s32 $0xFFFFC000  }
.Ltmp2:
0x66: {  	[bflag:$0x0] =	sbarrier.arrive $0xFFFF;
	(pc) =	sbr.rel @p0 .LBB2_1-.Ltmp2, $4  }
0x67: {  	[hbm:s6], [sflag:s18] =	dma.local [spmem:s19], $0x2800  }
0x68: {  	_ =	swait.ge [sflag:s15], $0x2800  }
0x69: {  	[sflag:s15] =	ssyncset.done $0x0  }
0x6a: {  	[sflag:s15] =	ssyncadd.s32 $0xFFFFD800  }
0x6b: {  	_ =	sfence.sel $0x180000  }
0x6c: {  	[bflag:$0x0] =	sbarrier.arrive $0xFFFF  }
0x6d: {  	p0 =	sne.s32 s1, $0x0;
	_ =	strace $0x9000004D  }
0x6e: {  	s0 =	sadd.s32 @!p0 $0x100000, s0;
	[bflag:$0x2] =	sbarrier.arrive $0xFFFF  }
0x6f: {  	[sflag:s0] =	ssyncadd.tile.s32 @!p0 $0x1;
	_ =	shalt  }
.Lfunc_end2:
_tile_overlayer_lowered:
.L_overlay_start_2:
0x70: {  	(tag) =	ssettag $0x2  }
0x71: {  	s0 =	rddreg [dreg:$0x0];
	s2 =	stileid.u32  }
0x72: {  	s1 =	rddreg [dreg:$0x1];
	p0 =	sne.s32 s2, $0x0  }
0x73: {  	s3 =	rddreg [dreg:$0x2];
	[bflag:$0x3] =	sbarrier.arrive $0xFFFF;
	s2 =	simm.s32 @!p0 $0x1C02  }
0x74: {  	[timem:s3], [sflag:s2] =	dma.local @!p0 [hbm:s0], s1  }
0x75: {  	s0 =	simm.s32 @!p0 $0x2  }
0x76: {  	_ =	swait.ge @!p0 [sflag:s0], s1  }
0x77: {  	s1 =	ssub.s32 @!p0 $0x0, s1;
	[sflag:s0] =	ssyncset.done @!p0 $0x0  }
0x78: {  	[sflag:s0] =	ssyncadd.s32 @!p0 s1  }
0x79: {  	[bflag:$0x3] =	sbarrier.arrive $0xFFFF  }
0x7a: {  	_ =	shalt  }

// kernel: kernel.8.cloned.1.call-start
scs
__scs_entry_jumppad:
0x0: {  	(pc) =	sbr.rel $0x88, $3  }
0x1: {  	(tag) =	ssettag $0x0;
	lr =	simm.s32 $0x1  }
0x2: {  	[smem:$0x3F9A] =	sst lr;
	_ =	strace $0xD0000000  }
0x3: {  	_ = 	snop  }
0x4: {  	_ = 	snop  }
0x5: {  	_ = 	snop  }
0x6: {  	_ = 	snop  }
0x7: {  	_ = 	snop  }
__scs_overlays_trampoline_lowered:
0x8: {  	[smem:$0x3FA9] =	sst s0  }
0x9: {  	[smem:$0x3FAA] =	sst s1  }
0xa: {  	[smem:$0x3FAB] =	sst s2  }
0xb: {  	[smem:$0x3FAC] =	sst s3  }
0xc: {  	[smem:$0x3FAD] =	sst s4  }
0xd: {  	[smem:$0x3FAE] =	sst s5  }
0xe: {  	[smem:$0x3FAF] =	sst s6  }
0xf: {  	[smem:$0x3FB0] =	sst s7  }
0x10: {  	[smem:$0x3FB1] =	sst s8  }
0x11: {  	[smem:$0x3FB2] =	sst s9;
	s0 =	simm.s32 @!p0 $0x0  }
0x12: {  	s1 =	sld [smem:$0x3F98];
	s0 =	simm.s32 @p0 $0x1  }
0x13: {  	[smem:$0x3FB3] =	sst s0;
	s0 =	simm.s32 @!p1 $0x0  }
0x14: {  	s2 =	sld [smem:$0x3F97];
	s0 =	simm.s32 @p1 $0x1  }
0x15: {  	[smem:$0x3FB4] =	sst s0;
	s0 =	simm.s32 @!p2 $0x0  }
0x16: {  	s3 =	sld [smem:$0x3FDB];
	s0 =	simm.s32 @p2 $0x1  }
0x17: {  	s4 =	simm.s32 $0x1BF5;
	[smem:$0x3FB6] =	sst s0  }
0x18: {  	s0 =	sld [smem:$0x3F99];
	_ =	swait.ge [sflag:s4], $0x0  }
0x19: {  	s7 =	sld [smem:$0x3F9A]  }
0x1a: {  	s8 =	sadd.s32 $0xFFFFE003, lr  }
0x1b: {  	s9 =	sadd.s32 $0xFFFFFEF7, lr;
	s5 =	simm.s32 $0xFFFFFFFF;
	p2 =	slt.u32 s8, $0xFFFFF086  }
0x1c: {  	p1 =	slt.u32 s9, $0xF7A;
	s5 =	simm.s32 @!p2 $0x0  }
0x1d: {  	s5 =	simm.s32 @p1 $0x1;
	p0 =	seq.s32 s7, s2  }
0x1e: {  	s7 =	smul.u32 @!p0 $0xF7A, s2;
	p2 =	seq.s32 @!p0 s5, $0x0  }
0x1f: {  	s9 =	smul.u32 $0xF7A, s1;
	s8 =	simm.s32 @!p0 $0x1BF5;
	p2 =	por !p2, p0  }
0x20: {  	[sflag:s8] =	ssyncset.s32 @!p0 $0xFFFFF086;
	s6 =	sadd.s32 @!p0 s3, s7;
	s7 =	simm.s32 @!p0 $0x108  }
0x21: {  	s3 =	sadd.s32 s3, s9;
	s6 =	sadd.s32 @!p0 $0x88, s6;
	s7 =	simm.s32 @p2 $0x1082  }
0x22: {  	[simem:s7], [sflag:s8] =	dma.local @!p0 [hbm:s6], $0xF7A  }
0x23: {  	s9 =	sor.u32 $0xD0000000, s2;
	s6 =	simm.s32 $0x108;
	_ =	swait.ge @!p0 [sflag:s8], $0x0  }
0x24: {  	s3 =	sadd.s32 $0x88, s3;
	s6 =	simm.s32 @!p1 $0x1082;
	[sflag:s4] =	ssyncset.s32 $0xFFFFF086  }
0x25: {  	[simem:s6], [sflag:s4] =	dma.local [hbm:s3], $0xF7A  }
0x26: {  	[smem:$0x3F9A] =	sst s1;
	(tag) =	ssettag s2;
	_ =	strace s9  }
0x27: {  	s1 =	sld [smem:$0x3FAA]  }
0x28: {  	s2 =	sld [smem:$0x3FAB]  }
0x29: {  	s4 =	sld [smem:$0x3FAD]  }
0x2a: {  	p0 =	seq.s32 s5, $0x0;
	s5 =	sld [smem:$0x3FAE]  }
0x2b: {  	s6 =	sld [smem:$0x3FAF]  }
0x2c: {  	s7 =	sld [smem:$0x3FB0]  }
0x2d: {  	s3 =	simm.s32 $0x108;
	s8 =	sld [smem:$0x3FB1]  }
0x2e: {  	s3 =	simm.s32 @!p0 $0x1082;
	s9 =	sld [smem:$0x3FB2]  }
0x2f: {  	lr =	sadd.s32 s0, s3;
	s0 =	sld [smem:$0x3FA9]  }
0x30: {  	s3 =	sld [smem:$0x3FAC]  }
0x31: {  	[smem:$0x3FB5] =	sst s10  }
0x32: {  	s10 =	sld [smem:$0x3FB3];
	_ =	sdelay $0x3  }
0x33: {  	p0 =	seq.s32 s10, $0x1;
	s10 =	sld [smem:$0x3FB5];
	_ =	sdelay $0x3  }
0x34: {  	[smem:$0x3FB5] =	sst s10  }
0x35: {  	s10 =	sld [smem:$0x3FB4];
	_ =	sdelay $0x3  }
0x36: {  	p1 =	seq.s32 s10, $0x1;
	s10 =	sld [smem:$0x3FB5];
	_ =	sdelay $0x3  }
0x37: {  	[smem:$0x3FB5] =	sst s10  }
0x38: {  	s10 =	sld [smem:$0x3FB6]  }
0x39: {  	_ = 	snop;
	(pc) =	sbr.ind lr, $3  }
0x3a: {  	_ = 	snop  }
0x3b: {  	_ = 	snop  }
0x3c: {  	p2 =	seq.s32 s10, $0x1;
	s10 =	sld [smem:$0x3FB5]  }
0x3d: {  	_ =	shalt  }
0x3e: {  	_ =	shalt  }
0x3f: {  	_ =	shalt  }
0x40: {  	_ =	shalt  }
0x41: {  	_ =	shalt  }
0x42: {  	_ =	shalt  }
0x43: {  	_ =	shalt  }
0x44: {  	_ =	shalt  }
0x45: {  	_ =	shalt  }
0x46: {  	_ =	shalt  }
0x47: {  	_ =	shalt  }
0x48: {  	_ =	shalt  }
0x49: {  	_ =	shalt  }
0x4a: {  	_ =	shalt  }
0x4b: {  	_ =	shalt  }
0x4c: {  	_ =	shalt  }
0x4d: {  	_ =	shalt  }
0x4e: {  	_ =	shalt  }
0x4f: {  	_ =	shalt  }
0x50: {  	_ =	shalt  }
0x51: {  	_ =	shalt  }
0x52: {  	_ =	shalt  }
0x53: {  	_ =	shalt  }
0x54: {  	_ =	shalt  }
0x55: {  	_ =	shalt  }
0x56: {  	_ =	shalt  }
0x57: {  	_ =	shalt  }
0x58: {  	_ =	shalt  }
0x59: {  	_ =	shalt  }
0x5a: {  	_ =	shalt  }
0x5b: {  	_ =	shalt  }
0x5c: {  	_ =	shalt  }
0x5d: {  	_ =	shalt  }
0x5e: {  	_ =	shalt  }
0x5f: {  	_ =	shalt  }
0x60: {  	_ =	shalt  }
0x61: {  	_ =	shalt  }
0x62: {  	_ =	shalt  }
0x63: {  	_ =	shalt  }
0x64: {  	_ =	shalt  }
0x65: {  	_ =	shalt  }
0x66: {  	_ =	shalt  }
0x67: {  	_ =	shalt  }
0x68: {  	_ =	shalt  }
0x69: {  	_ =	shalt  }
0x6a: {  	_ =	shalt  }
0x6b: {  	_ =	shalt  }
0x6c: {  	_ =	shalt  }
0x6d: {  	_ =	shalt  }
0x6e: {  	_ =	shalt  }
0x6f: {  	_ =	shalt  }
0x70: {  	_ =	shalt  }
0x71: {  	_ =	shalt  }
0x72: {  	_ =	shalt  }
0x73: {  	_ =	shalt  }
0x74: {  	_ =	shalt  }
0x75: {  	_ =	shalt  }
0x76: {  	_ =	shalt  }
0x77: {  	_ =	shalt  }
0x78: {  	_ =	shalt  }
0x79: {  	_ =	shalt  }
0x7a: {  	_ =	shalt  }
0x7b: {  	_ =	shalt  }
0x7c: {  	_ =	shalt  }
0x7d: {  	_ =	shalt  }
0x7e: {  	_ =	shalt  }
0x7f: {  	_ =	shalt  }
0x80: {  	_ =	shalt  }
0x81: {  	_ =	shalt  }
0x82: {  	_ =	shalt  }
0x83: {  	_ =	shalt  }
0x84: {  	_ =	shalt  }
0x85: {  	_ =	shalt  }
0x86: {  	_ =	shalt  }
0x87: {  	_ =	shalt  }
.Lfunc_end0:
.L_simem_size_0:
called_computation_lowered:
.L_overlay_start_0:
0x88: {  	s2 =	sld [smem:$0x3FD9]  }
0x89: {  	s3 =	sld [smem:$0x3FFE];
	_ =	sdelay $0x1  }
0x8a: {  	s1 =	srdreg.scid  }
0x8b: {  	s0 =	sand.u32 $0x1, s1  }
0x8c: {  	s16 =	sshll.u32 s0, $0xA;
	s2 =	sadd.s32 s3, s2  }
0x8d: {  	s2 =	sadd.s32 s2, s16  }
0x8e: {  	[smem:$0x3FC1] =	sst s2  }
0x8f: {  	_ = 	snop  }
0x90: {  	(tm) =	ssettm $0x1  }
0x91: {  	s17 =	sld [smem:$0x3FFB];
	_ =	sdelay $0x3  }
0x92: {  	_ =	strace s17  }
0x93: {  	s2 =	sld [smem:$0x3FFC];
	_ =	sdelay $0x3  }
0x94: {  	_ =	strace s2  }
0x95: {  	s2 =	sld [smem:$0x3FFD];
	_ =	sdelay $0x3  }
0x96: {  	_ =	strace s2  }
0x97: {  	_ =	strace $0x8FFFFFFF  }
0x98: {  	s18 =	sld [smem:$0x3FDB];
	_ =	sdelay $0x1  }
0x99: {  	s19 =	simm.s32 $_scs_section_size  }
0x9a: {  	s4 =	simm.s32 $_size__tile_overlayer_lowered;
	s5 =	simm.s32 $_tile_overlayer_lowered  }
0x9b: {  	s22 =	simm.s32 $0x1BFF;
	s21 =	sshll.u32 s5, $0x1;
	s2 =	sadd.s32 s19, s18  }
0x9c: {  	s6 =	simm.s32 $0x0;
	s20 =	sshll.u32 s4, $0x1;
	s4 =	sadd.s32 s21, s2  }
0x9d: {  	[timem:s6], [sflag:s22] =	dma.local [hbm:s4], s20  }
0x9e: {  	_ =	swait.ge [sflag:s22], s20  }
0x9f: {  	s3 =	ssub.s32 $0x0, s20;
	[sflag:s22] =	ssyncset.done $0x0  }
0xa0: {  	[sflag:s22] =	ssyncadd.s32 s3;
	_ =	sdelay $0x1  }
0xa1: {  	s23 =	simm.s32 $0x1B8B  }
0xa2: {  	_ =	swait.ge [sflag:s23], $0x1  }
0xa3: {  	[sflag:s23] =	ssyncset.done $0x0  }
0xa4: {  	s25 =	simm.s32 $0x1B8E;
	s24 =	sld [smem:$0x3FFE];
	[sflag:s23] =	ssyncadd.s32 $0xFFFFFFFF  }
0xa5: {  	s26 =	simm.s32 $execute0_lowered;
	[smem:$0x3FD2] =	sst s25  }
0xa6: {  	s4 =	sshll.u32 s26, $0x1;
	_ =	strace $0x80000046;
	[dreg:$0x1] =	wrdreg $0xFFFFFFFF  }
0xa7: {  	s28 =	simm.s32 $_size_execute0_lowered;
	s2 =	sadd.s32 s2, s4;
	[dreg:$0x0] =	wrdreg $0x0  }
0xa8: {  	s4 =	sshll.u32 s28, $0x1;
	[dreg:$0x2] =	wrdreg s2  }
0xa9: {  	[dreg:$0x3] =	wrdreg s4  }
0xaa: {  	[dreg:$0x4] =	wrdreg $0xC0  }
0xab: {  	_ =	task [dreg:s6], $0x5FFFF  }
0xac: {  	[dreg:$0x1] =	wrdreg $0xFFFFFFFF  }
0xad: {  	[dreg:$0x0] =	wrdreg $0x60  }
0xae: {  	[dreg:$0x2] =	wrdreg s24  }
0xaf: {  	[dreg:$0x3] =	wrdreg $0x9  }
0xb0: {  	_ =	task.clear_ibuf [dreg:s6], $0x4FFFF;
	_ =	strace $0x90000046  }
0xb1: {  	s29 =	simm.s32 $0x9;
	_ =	strace $0x80000048  }
0xb2: {  	_ =	swait.ge [sflag:s29], $0x1  }
0xb3: {  	[sflag:s29] =	ssyncadd.s32 $0xFFFFFFFF  }
0xb4: {  	_ =	strace $0x90000048  }
0xb5: {  	_ =	sfence  }
0xb6: {  	s30 =	sld [smem:$0x0];
	_ =	sdelay $0x2  }
0xb7: {  	s31 =	sshll.u32 s1, $0xD;
	s1 =	sshrl.u32 s1, $0x2  }
0xb8: {  	s3 =	sand.u32 $0x4000, s31;
	s1 =	sadd.s32 s1, s30  }
0xb9: {  	s0 =	sor.u32 s3, s0;
	s1 =	sshll.u32 s1, $0x11  }
0xba: {  	s0 =	sor.u32 s1, s0  }
0xbb: {  	s0 =	sadd.s32 $0x8F2B, s0  }
0xbc: {  	[sflag:s0] =	ssyncadd.remote.s32 $0x1  }
0xbd: {  	_ =	sfence.sel $0xFFFF  }
0xbe: {  	[dreg:$0x0] =	wrdreg $0xFFFFFFFF;
	(pc) =	sbr.abs _section_cstart, $3  }
0xbf: {  	[dreg:$0x1] =	wrdreg $0xFFFFFFFF  }
0xc0: {  	_ =	task.clear_ibuf [dreg:s6], $0x2FFFF;
	_ =	strace $0x9FFFFFFF  }
0xc1: {  	(tm) =	ssettm $0x7FFFFFFF  }
tec
execute0_lowered:
.L_overlay_start_1:
0x0: {  	(tag) =	ssettag $0x1  }
0x1: {  	s0 =	srdreg.scid  }
0x2: {  	s5 =	rddreg [dreg:$0x0];
	s3 =	sand.u32 $0x1, s0  }
0x3: {  	s1 =	stileid.u32;
	s2 =	simm.s32 $0x0;
	s4 =	sshll.u32 s3, $0x4  }
0x4: {  	s10 =	simm.s32 $0x400;
	s11 =	simm.s32 $0x800;
	s6 =	sor.u32 s1, s4  }
0x5: {  	s12 =	simm.s32 $0x3000;
	s0 =	rddreg [dreg:$0x1];
	s4 =	smul.u32 $0x5000, s6  }
0x6: {  	s13 =	simm.s32 $0x0;
	[smem:$0x7FF] =	sst s2;
	s7 =	ssub.s32 $0x2, s3  }
0x7: {  	_ =	strace $0x80000047;
	s9 =	sshrl.u32 s7, $0x1;
	s8 =	sshrl.u32 s4, $0x3  }
0x8: {  	s3 =	sadd.s32 $0x2000, s5;
	s9 =	ssub.s32 s7, s9;
	s8 =	sadd.s32 s8, s5  }
0x9: {  	s4 =	sadd.s32 $0xC000, s5;
	s5 =	smul.u32 $0x2800, s6;
	s6 =	sadd.s32 $0x16000, s8  }
0xa: {  	v0 =	vimm.f32 $0.0e+00;
	v1 =	vimm.f32 $1.000000000e+00;
	s7 =	sadd.s32 $0x16500, s8;
	s8 =	smax.u32 s9, $0x1;
	s9 =	simm.s32 $0x1  }
.LBB2_1:
0xb: {  	s14 =	simm.s32 $0x40;
	s15 =	simm.s32 $0x0  }
.LBB2_2:
0xc: {  	p0 =	sne.s32 s14, $0x9FC0;
	[tilespmem:s15+$0x800] =	vst v0;
	s16 =	smov.u32 s14;
	s14 =	sadd.s32 $0x40, s14  }
.Ltmp0:
0xd: {  	[tilespmem:s15+$0x3000] =	vst v0;
	(pc) =	sbr.rel @p0 .LBB2_2-.Ltmp0, $2  }
0xe: {  	_ =	sdelay $0x2  }
0xf: {  	s15 =	sshra.s32 s16, $0x2  }
0x10: {  	[tilespmem:s15+$0x800] =	vst v0  }
0x11: {  	s14 =	simm.s32 $0x0;
	[tilespmem:s15+$0x3000] =	vst v0;
	s15 =	simm.s32 $0x0  }
.LBB2_4:
0x12: {  	s16 =	sshll.u32 s15, $0xA  }
0x13: {  	s16 =	sadd.s32 s5, s16  }
0x14: {  	s16 =	sshrl.u32 s16, $0x3  }
0x15: {  	s17 =	sadd.s32 s3, s16  }
0x16: {  	[tilespmem:s14], [sflag:$0x1] =	stream.linear.gather [hbm4b:s17+s14], $0x400, $0x38;
	[tilespmem:$0x5800] =	vst v63  }
0x17: {  	_ =	swait.ge [sflag:s9], $0x400  }
0x18: {  	[sflag:s9] =	ssyncset.done $0x0  }
0x19: {  	s16 =	sadd.s32 s4, s16;
	[sflag:s9] =	ssyncadd.s32 $0xFFFFFC00  }
0x1a: {  	[tilespmem:s10], [sflag:$0x1] =	stream.linear.gather [hbm4b:s16+s14], $0x400, $0x38;
	[tilespmem:$0x5800] =	vst v63  }
0x1b: {  	_ =	swait.ge [sflag:s9], $0x400  }
0x1c: {  	[sflag:s9] =	ssyncset.done $0x0  }
0x1d: {  	s17 =	simm.s32 $0x0;
	s16 =	simm.s32 $0x40;
	[sflag:s9] =	ssyncadd.s32 $0xFFFFFC00  }
.LBB2_5:
0x1e: {  	p0 =	sne.s32 s16, $0xFC0;
	v2 =	vld [tilespmem:s17+$0x0];
	_ =	sdelay $0x7  }
0x1f: {  	[tilespmem:v2+s11+$0x0] =	vst.idx.add.f32.msk $0xffff, v1  }
0x20: {  	v2 =	vld [tilespmem:s17+$0x400];
	_ =	sdelay $0x3  }
.Ltmp1:
0x21: {  	(pc) =	sbr.rel @p0 .LBB2_5-.Ltmp1, $2  }
0x22: {  	_ =	sdelay $0x2  }
0x23: {  	s17 =	sshra.s32 s16, $0x2;
	s16 =	sadd.s32 $0x40, s16;
	[tilespmem:v2+s12+$0x0] =	vst.idx.add.f32.msk $0xffff, v1  }
0x24: {  	v2 =	vld [tilespmem:s17+$0x0];
	_ =	sdelay $0x7  }
0x25: {  	[tilespmem:v2+s11+$0x0] =	vst.idx.add.f32.msk $0xffff, v1  }
0x26: {  	v2 =	vld [tilespmem:s17+$0x400];
	_ =	sdelay $0x1  }
0x27: {  	s15 =	sadd.s32 $0x1, s15  }
0x28: {  	p0 =	sne.s32 s15, $0xA  }
.Ltmp2:
0x29: {  	_ = 	snop;
	(pc) =	sbr.rel @p0 .LBB2_4-.Ltmp2, $2  }
0x2a: {  	_ =	sdelay $0x2  }
0x2b: {  	[tilespmem:v2+s12+$0x0] =	vst.idx.add.f32.msk $0xffff, v1  }
0x2c: {  	[hbm4b:s6+s2] =	stream.linear.scatter [tilespmem:s11], [sflag:$0x1], $0x2800, $0x38;
	[tilespmem:$0x5800] =	vst v63  }
0x2d: {  	s13 =	sadd.s32 $0x1, s13;
	_ =	swait.ge [sflag:s9], $0x2800  }
0x2e: {  	p0 =	sne.s32 s13, s8;
	[sflag:s9] =	ssyncset.done $0x0  }
.Ltmp3:
0x2f: {  	[sflag:s9] =	ssyncadd.s32 $0xFFFFD800;
	(pc) =	sbr.rel @p0 .LBB2_1-.Ltmp3, $4  }
0x30: {  	[hbm4b:s7+s2] =	stream.linear.scatter [tilespmem:s12], [sflag:$0x1], $0x2800, $0x38;
	[tilespmem:$0x5800] =	vst v63  }
0x31: {  	_ =	swait.ge [sflag:s9], $0x2800  }
0x32: {  	[sflag:s9] =	ssyncset.done $0x0  }
0x33: {  	[sflag:s9] =	ssyncadd.s32 $0xFFFFD800  }
0x34: {  	_ =	sfence.sel $0x180000  }
0x35: {  	[bflag:$0x0] =	sbarrier.arrive $0xFFFF  }
0x36: {  	p0 =	sne.s32 s1, $0x0;
	_ =	strace $0x90000047  }
0x37: {  	s0 =	sadd.s32 @!p0 $0x100000, s0;
	[bflag:$0x2] =	sbarrier.arrive $0xFFFF  }
0x38: {  	[sflag:s0] =	ssyncadd.tile.s32 @!p0 $0x1;
	_ =	shalt  }
.Lfunc_end2:
_tile_overlayer_lowered:
.L_overlay_start_2:
0x39: {  	(tag) =	ssettag $0x2  }
0x3a: {  	s0 =	rddreg [dreg:$0x0];
	s2 =	stileid.u32  }
0x3b: {  	s1 =	rddreg [dreg:$0x1];
	p0 =	sne.s32 s2, $0x0  }
0x3c: {  	s3 =	rddreg [dreg:$0x2];
	[bflag:$0x3] =	sbarrier.arrive $0xFFFF;
	s2 =	simm.s32 @!p0 $0x1C01  }
0x3d: {  	[timem:s3], [sflag:s2] =	dma.local @!p0 [hbm:s0], s1  }
0x3e: {  	s0 =	simm.s32 @!p0 $0x1  }
0x3f: {  	_ =	swait.ge @!p0 [sflag:s0], s1  }
0x40: {  	s1 =	ssub.s32 @!p0 $0x0, s1;
	[sflag:s0] =	ssyncset.done @!p0 $0x0  }
0x41: {  	[sflag:s0] =	ssyncadd.s32 @!p0 s1  }
0x42: {  	[bflag:$0x3] =	sbarrier.arrive $0xFFFF  }
0x43: {  	_ =	shalt  }

</sc_bundles>
